<compile_context>
chip_gen: v7x
topology: tpu7x:2x2x1
jax: 0.10.2.dev20260603
libtpu: 0.0.44.dev20260713+nightly
codegen_flags: <defaults>
</compile_context>

<pallas_src>
import functools

import jax
import jax.numpy as jnp
from jax import lax
from jax.experimental import pallas as pl
from jax.experimental.pallas import tpu as pltpu
from jax.experimental.pallas import tpu_sc as plsc

D_MODEL = 768
VOCAB = 100000
BATCH = 4
SEQ = 2048
ROWS = BATCH * SEQ

NC, NS = 2, 16
NW = NC * NS
RPW = ROWS // NW
R = 16
SIZES = [8, 8] + [16] * 14 + [8, 8]
OFFS = [sum(SIZES[:i]) for i in range(len(SIZES))]
NCHUNK = len(SIZES)
NBUF = 10
NFLY = 4


def _gather_rows(tab, x):
    mesh = plsc.VectorSubcoreMesh(core_axis_name="c", subcore_axis_name="s",
                                  num_cores=NC, num_subcores=NS)

    @functools.partial(
        pl.kernel,
        out_type=jax.ShapeDtypeStruct((ROWS, D_MODEL), jnp.float32),
        mesh=mesh,
        scratch_types=[
            pltpu.VMEM((RPW,), jnp.int32),
            [pltpu.VMEM((R, D_MODEL), jnp.float32) for _ in range(NBUF)],
            [pltpu.SemaphoreType.DMA for _ in range(NFLY)],
            [pltpu.SemaphoreType.DMA for _ in range(NBUF)],
        ],
    )
    def k(tab_hbm, x_hbm, out_hbm, x_v, bufs, gsems, ssems):
        wid = lax.axis_index("s") * NC + lax.axis_index("c")
        base = wid * RPW

        def start_gather(c):
            return pltpu.async_copy(
                tab_hbm.at[x_v.at[pl.ds(OFFS[c], SIZES[c])]],
                bufs[c % NBUF].at[pl.ds(0, SIZES[c])], gsems[c % NFLY])

        def start_scatter(c):
            return pltpu.async_copy(
                bufs[c % NBUF].at[pl.ds(0, SIZES[c])],
                out_hbm.at[pl.ds(base + OFFS[c], SIZES[c])],
                ssems[c % NBUF])

        pltpu.sync_copy(x_hbm.at[base // SEQ, pl.ds(base % SEQ, RPW)], x_v)
        gathers = {c: start_gather(c) for c in range(NFLY)}

        scatters = {}
        for c in range(NCHUNK):
            gathers[c].wait()
            scatters[c] = start_scatter(c)
            nxt = c + NFLY
            if nxt < NCHUNK:
                prev = nxt - NBUF
                if prev >= 0:
                    scatters[prev].wait()
                gathers[nxt] = start_gather(nxt)
        for c in range(max(0, NCHUNK - NBUF), NCHUNK):
            scatters[c].wait()

    return k(tab, x)


def kernel(x, W_E):
    tab = W_E.T
    out = _gather_rows(tab, x.astype(jnp.int32))
    return out.reshape(x.shape[0], x.shape[1], D_MODEL)

# --- scband reference (transcript-rebuilt; emitter-appended) ---
"""Pipeline reference for scband-embed-163208757294 (READ-ONLY COPY).

The authoritative reference and input builder live on the scoring server;
editing this copy changes nothing except your own understanding.
"""

import jax, jax.numpy as jnp
import numpy as np

D_VOCAB = 100000
D_MODEL = 768
BATCH = 4
SEQ = 2048

def setup_inputs(seed: int = 0) -> dict:
    key = jax.random.key(seed)
    k1, k2 = jax.random.split(key)
    x = jax.random.randint(k1, (BATCH, SEQ), 0, D_VOCAB, dtype=jnp.int64 if jax.config.read('jax_enable_x64') else jnp.int32)
    W_E = jax.random.normal(k2, (D_MODEL, D_VOCAB), dtype=jnp.float32) / np.sqrt(D_MODEL)
    return {"x": x, "W_E": W_E}

def reference(x, W_E):
    # torch: einsum('dbp -> bpd', W_E[:, x])
    # W_E[:, x] has shape [d_model, batch, pos]; permute to [batch, pos, d_model]
    gathered = jnp.take(W_E, x, axis=1)  # [d, b, p]
    return jnp.transpose(gathered, (1, 2, 0))  # [b, p, d]

if __name__ == "__main__":
    import jax
    _d = setup_inputs()
    print(jax.jit(kernel)(*tuple(_d.values())))

</pallas_src>

<mosaic_0001>
#map = affine_map<(d0, d1) -> (0, 0)>
module attributes {stable_mosaic.version = 14 : i64} {
  func.func @k(%arg0: i32, %arg1: i32, %arg2: memref<100000x768xf32, #tpu.memory_space<hbm>>, %arg3: memref<4x2048xi32, #tpu.memory_space<hbm>>, %arg4: memref<8192x768xf32, #tpu.memory_space<hbm>>, %arg5: memref<256xi32, #tpu.memory_space<vmem>>, %arg6: memref<16x768xf32, #tpu.memory_space<vmem>>, %arg7: memref<16x768xf32, #tpu.memory_space<vmem>>, %arg8: memref<16x768xf32, #tpu.memory_space<vmem>>, %arg9: memref<16x768xf32, #tpu.memory_space<vmem>>, %arg10: memref<16x768xf32, #tpu.memory_space<vmem>>, %arg11: memref<16x768xf32, #tpu.memory_space<vmem>>, %arg12: memref<16x768xf32, #tpu.memory_space<vmem>>, %arg13: memref<16x768xf32, #tpu.memory_space<vmem>>, %arg14: memref<16x768xf32, #tpu.memory_space<vmem>>, %arg15: memref<16x768xf32, #tpu.memory_space<vmem>>, %arg16: memref<!tpu.dma_semaphore, #tpu.memory_space<semaphore_mem>>, %arg17: memref<!tpu.dma_semaphore, #tpu.memory_space<semaphore_mem>>, %arg18: memref<!tpu.dma_semaphore, #tpu.memory_space<semaphore_mem>>, %arg19: memref<!tpu.dma_semaphore, #tpu.memory_space<semaphore_mem>>, %arg20: memref<!tpu.dma_semaphore, #tpu.memory_space<semaphore_mem>>, %arg21: memref<!tpu.dma_semaphore, #tpu.memory_space<semaphore_mem>>, %arg22: memref<!tpu.dma_semaphore, #tpu.memory_space<semaphore_mem>>, %arg23: memref<!tpu.dma_semaphore, #tpu.memory_space<semaphore_mem>>, %arg24: memref<!tpu.dma_semaphore, #tpu.memory_space<semaphore_mem>>, %arg25: memref<!tpu.dma_semaphore, #tpu.memory_space<semaphore_mem>>, %arg26: memref<!tpu.dma_semaphore, #tpu.memory_space<semaphore_mem>>, %arg27: memref<!tpu.dma_semaphore, #tpu.memory_space<semaphore_mem>>, %arg28: memref<!tpu.dma_semaphore, #tpu.memory_space<semaphore_mem>>, %arg29: memref<!tpu.dma_semaphore, #tpu.memory_space<semaphore_mem>>) attributes {dimension_semantics = [#tpu.dimension_semantics<core_parallel>, #tpu.dimension_semantics<subcore_parallel>], iteration_bounds = array<i64: 2, 16>, scalar_prefetch = 0 : i64, scratch_operands = 25 : i64, tpu.core_type = #tpu.core_type<sc_vector_subcore>, window_params = [{transform_indices = #map}, {transform_indices = #map}, {transform_indices = #map}]} {
    %mul3A = arith.constant 2 : i32
    %mul3A_0 = arith.muli %arg1, %mul3A : i32
    %add3A = arith.addi %mul3A_0, %arg0 : i32
    %mul3A_1 = arith.constant 256 : i32
    %mul3A_2 = arith.muli %add3A, %mul3A_1 : i32
    %jit3A = arith.constant 2048 : i32
    %div3A = arith.divsi %mul3A_2, %jit3A : i32
    %sign3A = arith.constant 0 : i32
    %sign3A_3 = arith.cmpi sgt, %mul3A_2, %sign3A : i32
    %sign3A_4 = arith.extui %sign3A_3 : i1 to i32
    %sign3A_5 = arith.constant 0 : i32
    %sign3A_6 = arith.cmpi slt, %mul3A_2, %sign3A_5 : i32
    %sign3A_7 = arith.extui %sign3A_6 : i1 to i32
    %sign3A_8 = arith.subi %sign3A_4, %sign3A_7 : i32
    %sign3A_9 = arith.constant 0 : i32
    %sign3A_10 = arith.cmpi sgt, %jit3A, %sign3A_9 : i32
    %sign3A_11 = arith.extui %sign3A_10 : i1 to i32
    %sign3A_12 = arith.constant 0 : i32
    %sign3A_13 = arith.cmpi slt, %jit3A, %sign3A_12 : i32
    %sign3A_14 = arith.extui %sign3A_13 : i1 to i32
    %sign3A_15 = arith.subi %sign3A_11, %sign3A_14 : i32
    %ne3A = arith.cmpi ne, %sign3A_8, %sign3A_15 : i32
    %rem3A = arith.remsi %mul3A_2, %jit3A : i32
    %ne3A_16 = arith.constant 0 : i32
    %ne3A_17 = arith.cmpi ne, %rem3A, %ne3A_16 : i32
    %and3A = arith.andi %ne3A, %ne3A_17 : i1
    %sub3A = arith.constant 1 : i32
    %sub3A_18 = arith.subi %div3A, %sub3A : i32
    %select_n3A = arith.select %and3A, %sub3A_18, %div3A : i32
    %jit3A_19 = arith.constant 2048 : i32
    %eq3A = arith.constant 0 : i32
    %eq3A_20 = arith.cmpi eq, %jit3A_19, %eq3A : i32
    %jit3A_21 = arith.constant 1 : i32
    %select_n3A_22 = arith.select %eq3A_20, %jit3A_21, %jit3A_19 : i32
    %rem3A_23 = arith.remsi %mul3A_2, %select_n3A_22 : i32
    %ne3A_24 = arith.constant 0 : i32
    %ne3A_25 = arith.cmpi ne, %rem3A_23, %ne3A_24 : i32
    %lt3A = arith.constant 0 : i32
    %lt3A_26 = arith.cmpi slt, %rem3A_23, %lt3A : i32
    %lt3A_27 = arith.constant 0 : i32
    %lt3A_28 = arith.cmpi slt, %select_n3A_22, %lt3A_27 : i32
    %ne3A_29 = arith.xori %lt3A_26, %lt3A_28 : i1
    %and3A_30 = arith.andi %ne3A_29, %ne3A_25 : i1
    %add3A_31 = arith.addi %rem3A_23, %select_n3A_22 : i32
    %select_n3A_32 = arith.select %and3A_30, %add3A_31, %rem3A_23 : i32
    "tpu.region"() ({
      %run_scoped3A = tpu.sem_alloc : memref<!tpu.dma_semaphore, #tpu.memory_space<semaphore_mem>>
      %dma_start3A_715 = tpu.memref_slice %arg3[%select_n3A, %select_n3A_32] : memref<4x2048xi32, #tpu.memory_space<hbm>> -> memref<1x256xi32, #tpu.memory_space<hbm>>
      %dma_start3A_716 = tpu.memref_squeeze %dma_start3A_715 : memref<1x256xi32, #tpu.memory_space<hbm>> -> memref<256xi32, #tpu.memory_space<hbm>>
      %dma_start3A_717 = tpu.memref_slice %arg3[%select_n3A, %select_n3A_32] : memref<4x2048xi32, #tpu.memory_space<hbm>> -> memref<1x256xi32, #tpu.memory_space<hbm>>
      %dma_start3A_718 = tpu.memref_squeeze %dma_start3A_717 : memref<1x256xi32, #tpu.memory_space<hbm>> -> memref<256xi32, #tpu.memory_space<hbm>>
      tpu.enqueue_dma source(%dma_start3A_718 : memref<256xi32, #tpu.memory_space<hbm>>) target(%arg5 : memref<256xi32, #tpu.memory_space<vmem>>) target_semaphore(%run_scoped3A : memref<!tpu.dma_semaphore, #tpu.memory_space<semaphore_mem>>)
      %dma_wait3A_719 = tpu.memref_slice %arg3[%select_n3A, %select_n3A_32] : memref<4x2048xi32, #tpu.memory_space<hbm>> -> memref<1x256xi32, #tpu.memory_space<hbm>>
      %dma_wait3A_720 = tpu.memref_squeeze %dma_wait3A_719 : memref<1x256xi32, #tpu.memory_space<hbm>> -> memref<256xi32, #tpu.memory_space<hbm>>
      %dma_wait3A_721 = tpu.memref_slice %arg3[%select_n3A, %select_n3A_32] : memref<4x2048xi32, #tpu.memory_space<hbm>> -> memref<1x256xi32, #tpu.memory_space<hbm>>
      %dma_wait3A_722 = tpu.memref_squeeze %dma_wait3A_721 : memref<1x256xi32, #tpu.memory_space<hbm>> -> memref<256xi32, #tpu.memory_space<hbm>>
      tpu.wait_dma2 semaphore(%run_scoped3A : memref<!tpu.dma_semaphore, #tpu.memory_space<semaphore_mem>>) src(%dma_wait3A_722 : memref<256xi32, #tpu.memory_space<hbm>>) dst(%arg5 : memref<256xi32, #tpu.memory_space<vmem>>)
      tpu.yield
    }) : () -> ()
    %dma_start3A = arith.constant 0 : i32
    %dma_start3A_33 = arith.constant 0 : i32
    %dma_start3A_34 = tpu.memref_slice %arg6[%dma_start3A, %dma_start3A_33] : memref<16x768xf32, #tpu.memory_space<vmem>> -> memref<8x768xf32, #tpu.memory_space<vmem>>
    %dma_start3A_35 = arith.constant 0 : i32
    %dma_start3A_36 = tpu.memref_slice %arg5[%dma_start3A_35] : memref<256xi32, #tpu.memory_space<vmem>> -> memref<8xi32, #tpu.memory_space<vmem>>
    %dma_start3A_37 = arith.constant 0 : i32
    %dma_start3A_38 = arith.constant 0 : i32
    %dma_start3A_39 = tpu.memref_slice %arg2[%dma_start3A_37, %dma_start3A_38] : memref<100000x768xf32, #tpu.memory_space<hbm>> -> memref<100000x768xf32, #tpu.memory_space<hbm>>
    tpu.enqueue_indirect_dma source(%dma_start3A_39 : memref<100000x768xf32, #tpu.memory_space<hbm>>) target(%dma_start3A_34 : memref<8x768xf32, #tpu.memory_space<vmem>>) offsets(%dma_start3A_36 : memref<8xi32, #tpu.memory_space<vmem>>) semaphore(%arg16 : memref<!tpu.dma_semaphore, #tpu.memory_space<semaphore_mem>>)
    %dma_start3A_40 = arith.constant 0 : i32
    %dma_start3A_41 = arith.constant 0 : i32
    %dma_start3A_42 = tpu.memref_slice %arg7[%dma_start3A_40, %dma_start3A_41] : memref<16x768xf32, #tpu.memory_space<vmem>> -> memref<8x768xf32, #tpu.memory_space<vmem>>
    %dma_start3A_43 = arith.constant 8 : i32
    %dma_start3A_44 = tpu.memref_slice %arg5[%dma_start3A_43] : memref<256xi32, #tpu.memory_space<vmem>> -> memref<8xi32, #tpu.memory_space<vmem>>
    %dma_start3A_45 = arith.constant 0 : i32
    %dma_start3A_46 = arith.constant 0 : i32
    %dma_start3A_47 = tpu.memref_slice %arg2[%dma_start3A_45, %dma_start3A_46] : memref<100000x768xf32, #tpu.memory_space<hbm>> -> memref<100000x768xf32, #tpu.memory_space<hbm>>
    tpu.enqueue_indirect_dma source(%dma_start3A_47 : memref<100000x768xf32, #tpu.memory_space<hbm>>) target(%dma_start3A_42 : memref<8x768xf32, #tpu.memory_space<vmem>>) offsets(%dma_start3A_44 : memref<8xi32, #tpu.memory_space<vmem>>) semaphore(%arg17 : memref<!tpu.dma_semaphore, #tpu.memory_space<semaphore_mem>>)
    %dma_start3A_48 = arith.constant 0 : i32
    %dma_start3A_49 = arith.constant 0 : i32
    %dma_start3A_50 = tpu.memref_slice %arg8[%dma_start3A_48, %dma_start3A_49] : memref<16x768xf32, #tpu.memory_space<vmem>> -> memref<16x768xf32, #tpu.memory_space<vmem>>
    %dma_start3A_51 = arith.constant 16 : i32
    %dma_start3A_52 = tpu.memref_slice %arg5[%dma_start3A_51] : memref<256xi32, #tpu.memory_space<vmem>> -> memref<16xi32, #tpu.memory_space<vmem>>
    %dma_start3A_53 = arith.constant 0 : i32
    %dma_start3A_54 = arith.constant 0 : i32
    %dma_start3A_55 = tpu.memref_slice %arg2[%dma_start3A_53, %dma_start3A_54] : memref<100000x768xf32, #tpu.memory_space<hbm>> -> memref<100000x768xf32, #tpu.memory_space<hbm>>
    tpu.enqueue_indirect_dma source(%dma_start3A_55 : memref<100000x768xf32, #tpu.memory_space<hbm>>) target(%dma_start3A_50 : memref<16x768xf32, #tpu.memory_space<vmem>>) offsets(%dma_start3A_52 : memref<16xi32, #tpu.memory_space<vmem>>) semaphore(%arg18 : memref<!tpu.dma_semaphore, #tpu.memory_space<semaphore_mem>>)
    %dma_start3A_56 = arith.constant 0 : i32
    %dma_start3A_57 = arith.constant 0 : i32
    %dma_start3A_58 = tpu.memref_slice %arg9[%dma_start3A_56, %dma_start3A_57] : memref<16x768xf32, #tpu.memory_space<vmem>> -> memref<16x768xf32, #tpu.memory_space<vmem>>
    %dma_start3A_59 = arith.constant 32 : i32
    %dma_start3A_60 = tpu.memref_slice %arg5[%dma_start3A_59] : memref<256xi32, #tpu.memory_space<vmem>> -> memref<16xi32, #tpu.memory_space<vmem>>
    %dma_start3A_61 = arith.constant 0 : i32
    %dma_start3A_62 = arith.constant 0 : i32
    %dma_start3A_63 = tpu.memref_slice %arg2[%dma_start3A_61, %dma_start3A_62] : memref<100000x768xf32, #tpu.memory_space<hbm>> -> memref<100000x768xf32, #tpu.memory_space<hbm>>
    tpu.enqueue_indirect_dma source(%dma_start3A_63 : memref<100000x768xf32, #tpu.memory_space<hbm>>) target(%dma_start3A_58 : memref<16x768xf32, #tpu.memory_space<vmem>>) offsets(%dma_start3A_60 : memref<16xi32, #tpu.memory_space<vmem>>) semaphore(%arg19 : memref<!tpu.dma_semaphore, #tpu.memory_space<semaphore_mem>>)
    %dma_wait3A = arith.constant 0 : i32
    %dma_wait3A_64 = arith.constant 0 : i32
    %dma_wait3A_65 = tpu.memref_slice %arg6[%dma_wait3A, %dma_wait3A_64] : memref<16x768xf32, #tpu.memory_space<vmem>> -> memref<8x768xf32, #tpu.memory_space<vmem>>
    %dma_wait3A_66 = arith.constant 0 : i32
    %dma_wait3A_67 = tpu.memref_slice %arg5[%dma_wait3A_66] : memref<256xi32, #tpu.memory_space<vmem>> -> memref<8xi32, #tpu.memory_space<vmem>>
    %dma_wait3A_68 = arith.constant 0 : i32
    %dma_wait3A_69 = arith.constant 0 : i32
    %dma_wait3A_70 = tpu.memref_slice %arg2[%dma_wait3A_68, %dma_wait3A_69] : memref<100000x768xf32, #tpu.memory_space<hbm>> -> memref<100000x768xf32, #tpu.memory_space<hbm>>
    tpu.wait_indirect_dma semaphore(%arg16 : memref<!tpu.dma_semaphore, #tpu.memory_space<semaphore_mem>>) src(%dma_wait3A_70 : memref<100000x768xf32, #tpu.memory_space<hbm>>) dst(%dma_wait3A_65 : memref<8x768xf32, #tpu.memory_space<vmem>>)
    %add3A_71 = arith.constant 0 : i32
    %add3A_72 = arith.addi %mul3A_2, %add3A_71 : i32
    %dma_start3A_73 = arith.constant 0 : i32
    %dma_start3A_74 = arith.constant 0 : i32
    %dma_start3A_75 = tpu.memref_slice %arg6[%dma_start3A_73, %dma_start3A_74] : memref<16x768xf32, #tpu.memory_space<vmem>> -> memref<8x768xf32, #tpu.memory_space<vmem>>
    %dma_start3A_76 = arith.constant 0 : i32
    %dma_start3A_77 = tpu.memref_slice %arg4[%add3A_72, %dma_start3A_76] : memref<8192x768xf32, #tpu.memory_space<hbm>> -> memref<8x768xf32, #tpu.memory_space<hbm>>
    %dma_start3A_78 = arith.constant 0 : i32
    %dma_start3A_79 = tpu.memref_slice %arg4[%add3A_72, %dma_start3A_78] : memref<8192x768xf32, #tpu.memory_space<hbm>> -> memref<8x768xf32, #tpu.memory_space<hbm>>
    %dma_start3A_80 = arith.constant 0 : i32
    %dma_start3A_81 = arith.constant 0 : i32
    %dma_start3A_82 = tpu.memref_slice %arg6[%dma_start3A_80, %dma_start3A_81] : memref<16x768xf32, #tpu.memory_space<vmem>> -> memref<8x768xf32, #tpu.memory_space<vmem>>
    tpu.enqueue_dma source(%dma_start3A_82 : memref<8x768xf32, #tpu.memory_space<vmem>>) target(%dma_start3A_79 : memref<8x768xf32, #tpu.memory_space<hbm>>) target_semaphore(%arg20 : memref<!tpu.dma_semaphore, #tpu.memory_space<semaphore_mem>>)
    %dma_start3A_83 = arith.constant 0 : i32
    %dma_start3A_84 = arith.constant 0 : i32
    %dma_start3A_85 = tpu.memref_slice %arg10[%dma_start3A_83, %dma_start3A_84] : memref<16x768xf32, #tpu.memory_space<vmem>> -> memref<16x768xf32, #tpu.memory_space<vmem>>
    %dma_start3A_86 = arith.constant 48 : i32
    %dma_start3A_87 = tpu.memref_slice %arg5[%dma_start3A_86] : memref<256xi32, #tpu.memory_space<vmem>> -> memref<16xi32, #tpu.memory_space<vmem>>
    %dma_start3A_88 = arith.constant 0 : i32
    %dma_start3A_89 = arith.constant 0 : i32
    %dma_start3A_90 = tpu.memref_slice %arg2[%dma_start3A_88, %dma_start3A_89] : memref<100000x768xf32, #tpu.memory_space<hbm>> -> memref<100000x768xf32, #tpu.memory_space<hbm>>
    tpu.enqueue_indirect_dma source(%dma_start3A_90 : memref<100000x768xf32, #tpu.memory_space<hbm>>) target(%dma_start3A_85 : memref<16x768xf32, #tpu.memory_space<vmem>>) offsets(%dma_start3A_87 : memref<16xi32, #tpu.memory_space<vmem>>) semaphore(%arg16 : memref<!tpu.dma_semaphore, #tpu.memory_space<semaphore_mem>>)
    %dma_wait3A_91 = arith.constant 0 : i32
    %dma_wait3A_92 = arith.constant 0 : i32
    %dma_wait3A_93 = tpu.memref_slice %arg7[%dma_wait3A_91, %dma_wait3A_92] : memref<16x768xf32, #tpu.memory_space<vmem>> -> memref<8x768xf32, #tpu.memory_space<vmem>>
    %dma_wait3A_94 = arith.constant 8 : i32
    %dma_wait3A_95 = tpu.memref_slice %arg5[%dma_wait3A_94] : memref<256xi32, #tpu.memory_space<vmem>> -> memref<8xi32, #tpu.memory_space<vmem>>
    %dma_wait3A_96 = arith.constant 0 : i32
    %dma_wait3A_97 = arith.constant 0 : i32
    %dma_wait3A_98 = tpu.memref_slice %arg2[%dma_wait3A_96, %dma_wait3A_97] : memref<100000x768xf32, #tpu.memory_space<hbm>> -> memref<100000x768xf32, #tpu.memory_space<hbm>>
    tpu.wait_indirect_dma semaphore(%arg17 : memref<!tpu.dma_semaphore, #tpu.memory_space<semaphore_mem>>) src(%dma_wait3A_98 : memref<100000x768xf32, #tpu.memory_space<hbm>>) dst(%dma_wait3A_93 : memref<8x768xf32, #tpu.memory_space<vmem>>)
    %add3A_99 = arith.constant 8 : i32
    %add3A_100 = arith.addi %mul3A_2, %add3A_99 : i32
    %dma_start3A_101 = arith.constant 0 : i32
    %dma_start3A_102 = arith.constant 0 : i32
    %dma_start3A_103 = tpu.memref_slice %arg7[%dma_start3A_101, %dma_start3A_102] : memref<16x768xf32, #tpu.memory_space<vmem>> -> memref<8x768xf32, #tpu.memory_space<vmem>>
    %dma_start3A_104 = arith.constant 0 : i32
    %dma_start3A_105 = tpu.memref_slice %arg4[%add3A_100, %dma_start3A_104] : memref<8192x768xf32, #tpu.memory_space<hbm>> -> memref<8x768xf32, #tpu.memory_space<hbm>>
    %dma_start3A_106 = arith.constant 0 : i32
    %dma_start3A_107 = tpu.memref_slice %arg4[%add3A_100, %dma_start3A_106] : memref<8192x768xf32, #tpu.memory_space<hbm>> -> memref<8x768xf32, #tpu.memory_space<hbm>>
    %dma_start3A_108 = arith.constant 0 : i32
    %dma_start3A_109 = arith.constant 0 : i32
    %dma_start3A_110 = tpu.memref_slice %arg7[%dma_start3A_108, %dma_start3A_109] : memref<16x768xf32, #tpu.memory_space<vmem>> -> memref<8x768xf32, #tpu.memory_space<vmem>>
    tpu.enqueue_dma source(%dma_start3A_110 : memref<8x768xf32, #tpu.memory_space<vmem>>) target(%dma_start3A_107 : memref<8x768xf32, #tpu.memory_space<hbm>>) target_semaphore(%arg21 : memref<!tpu.dma_semaphore, #tpu.memory_space<semaphore_mem>>)
    %dma_start3A_111 = arith.constant 0 : i32
    %dma_start3A_112 = arith.constant 0 : i32
    %dma_start3A_113 = tpu.memref_slice %arg11[%dma_start3A_111, %dma_start3A_112] : memref<16x768xf32, #tpu.memory_space<vmem>> -> memref<16x768xf32, #tpu.memory_space<vmem>>
    %dma_start3A_114 = arith.constant 64 : i32
    %dma_start3A_115 = tpu.memref_slice %arg5[%dma_start3A_114] : memref<256xi32, #tpu.memory_space<vmem>> -> memref<16xi32, #tpu.memory_space<vmem>>
    %dma_start3A_116 = arith.constant 0 : i32
    %dma_start3A_117 = arith.constant 0 : i32
    %dma_start3A_118 = tpu.memref_slice %arg2[%dma_start3A_116, %dma_start3A_117] : memref<100000x768xf32, #tpu.memory_space<hbm>> -> memref<100000x768xf32, #tpu.memory_space<hbm>>
    tpu.enqueue_indirect_dma source(%dma_start3A_118 : memref<100000x768xf32, #tpu.memory_space<hbm>>) target(%dma_start3A_113 : memref<16x768xf32, #tpu.memory_space<vmem>>) offsets(%dma_start3A_115 : memref<16xi32, #tpu.memory_space<vmem>>) semaphore(%arg17 : memref<!tpu.dma_semaphore, #tpu.memory_space<semaphore_mem>>)
    %dma_wait3A_119 = arith.constant 0 : i32
    %dma_wait3A_120 = arith.constant 0 : i32
    %dma_wait3A_121 = tpu.memref_slice %arg8[%dma_wait3A_119, %dma_wait3A_120] : memref<16x768xf32, #tpu.memory_space<vmem>> -> memref<16x768xf32, #tpu.memory_space<vmem>>
    %dma_wait3A_122 = arith.constant 16 : i32
    %dma_wait3A_123 = tpu.memref_slice %arg5[%dma_wait3A_122] : memref<256xi32, #tpu.memory_space<vmem>> -> memref<16xi32, #tpu.memory_space<vmem>>
    %dma_wait3A_124 = arith.constant 0 : i32
    %dma_wait3A_125 = arith.constant 0 : i32
    %dma_wait3A_126 = tpu.memref_slice %arg2[%dma_wait3A_124, %dma_wait3A_125] : memref<100000x768xf32, #tpu.memory_space<hbm>> -> memref<100000x768xf32, #tpu.memory_space<hbm>>
    tpu.wait_indirect_dma semaphore(%arg18 : memref<!tpu.dma_semaphore, #tpu.memory_space<semaphore_mem>>) src(%dma_wait3A_126 : memref<100000x768xf32, #tpu.memory_space<hbm>>) dst(%dma_wait3A_121 : memref<16x768xf32, #tpu.memory_space<vmem>>)
    %add3A_127 = arith.constant 16 : i32
    %add3A_128 = arith.addi %mul3A_2, %add3A_127 : i32
    %dma_start3A_129 = arith.constant 0 : i32
    %dma_start3A_130 = arith.constant 0 : i32
    %dma_start3A_131 = tpu.memref_slice %arg8[%dma_start3A_129, %dma_start3A_130] : memref<16x768xf32, #tpu.memory_space<vmem>> -> memref<16x768xf32, #tpu.memory_space<vmem>>
    %dma_start3A_132 = arith.constant 0 : i32
    %dma_start3A_133 = tpu.memref_slice %arg4[%add3A_128, %dma_start3A_132] : memref<8192x768xf32, #tpu.memory_space<hbm>> -> memref<16x768xf32, #tpu.memory_space<hbm>>
    %dma_start3A_134 = arith.constant 0 : i32
    %dma_start3A_135 = tpu.memref_slice %arg4[%add3A_128, %dma_start3A_134] : memref<8192x768xf32, #tpu.memory_space<hbm>> -> memref<16x768xf32, #tpu.memory_space<hbm>>
    %dma_start3A_136 = arith.constant 0 : i32
    %dma_start3A_137 = arith.constant 0 : i32
    %dma_start3A_138 = tpu.memref_slice %arg8[%dma_start3A_136, %dma_start3A_137] : memref<16x768xf32, #tpu.memory_space<vmem>> -> memref<16x768xf32, #tpu.memory_space<vmem>>
    tpu.enqueue_dma source(%dma_start3A_138 : memref<16x768xf32, #tpu.memory_space<vmem>>) target(%dma_start3A_135 : memref<16x768xf32, #tpu.memory_space<hbm>>) target_semaphore(%arg22 : memref<!tpu.dma_semaphore, #tpu.memory_space<semaphore_mem>>)
    %dma_start3A_139 = arith.constant 0 : i32
    %dma_start3A_140 = arith.constant 0 : i32
    %dma_start3A_141 = tpu.memref_slice %arg12[%dma_start3A_139, %dma_start3A_140] : memref<16x768xf32, #tpu.memory_space<vmem>> -> memref<16x768xf32, #tpu.memory_space<vmem>>
    %dma_start3A_142 = arith.constant 80 : i32
    %dma_start3A_143 = tpu.memref_slice %arg5[%dma_start3A_142] : memref<256xi32, #tpu.memory_space<vmem>> -> memref<16xi32, #tpu.memory_space<vmem>>
    %dma_start3A_144 = arith.constant 0 : i32
    %dma_start3A_145 = arith.constant 0 : i32
    %dma_start3A_146 = tpu.memref_slice %arg2[%dma_start3A_144, %dma_start3A_145] : memref<100000x768xf32, #tpu.memory_space<hbm>> -> memref<100000x768xf32, #tpu.memory_space<hbm>>
    tpu.enqueue_indirect_dma source(%dma_start3A_146 : memref<100000x768xf32, #tpu.memory_space<hbm>>) target(%dma_start3A_141 : memref<16x768xf32, #tpu.memory_space<vmem>>) offsets(%dma_start3A_143 : memref<16xi32, #tpu.memory_space<vmem>>) semaphore(%arg18 : memref<!tpu.dma_semaphore, #tpu.memory_space<semaphore_mem>>)
    %dma_wait3A_147 = arith.constant 0 : i32
    %dma_wait3A_148 = arith.constant 0 : i32
    %dma_wait3A_149 = tpu.memref_slice %arg9[%dma_wait3A_147, %dma_wait3A_148] : memref<16x768xf32, #tpu.memory_space<vmem>> -> memref<16x768xf32, #tpu.memory_space<vmem>>
    %dma_wait3A_150 = arith.constant 32 : i32
    %dma_wait3A_151 = tpu.memref_slice %arg5[%dma_wait3A_150] : memref<256xi32, #tpu.memory_space<vmem>> -> memref<16xi32, #tpu.memory_space<vmem>>
    %dma_wait3A_152 = arith.constant 0 : i32
    %dma_wait3A_153 = arith.constant 0 : i32
    %dma_wait3A_154 = tpu.memref_slice %arg2[%dma_wait3A_152, %dma_wait3A_153] : memref<100000x768xf32, #tpu.memory_space<hbm>> -> memref<100000x768xf32, #tpu.memory_space<hbm>>
    tpu.wait_indirect_dma semaphore(%arg19 : memref<!tpu.dma_semaphore, #tpu.memory_space<semaphore_mem>>) src(%dma_wait3A_154 : memref<100000x768xf32, #tpu.memory_space<hbm>>) dst(%dma_wait3A_149 : memref<16x768xf32, #tpu.memory_space<vmem>>)
    %add3A_155 = arith.constant 32 : i32
    %add3A_156 = arith.addi %mul3A_2, %add3A_155 : i32
    %dma_start3A_157 = arith.constant 0 : i32
    %dma_start3A_158 = arith.constant 0 : i32
    %dma_start3A_159 = tpu.memref_slice %arg9[%dma_start3A_157, %dma_start3A_158] : memref<16x768xf32, #tpu.memory_space<vmem>> -> memref<16x768xf32, #tpu.memory_space<vmem>>
    %dma_start3A_160 = arith.constant 0 : i32
    %dma_start3A_161 = tpu.memref_slice %arg4[%add3A_156, %dma_start3A_160] : memref<8192x768xf32, #tpu.memory_space<hbm>> -> memref<16x768xf32, #tpu.memory_space<hbm>>
    %dma_start3A_162 = arith.constant 0 : i32
    %dma_start3A_163 = tpu.memref_slice %arg4[%add3A_156, %dma_start3A_162] : memref<8192x768xf32, #tpu.memory_space<hbm>> -> memref<16x768xf32, #tpu.memory_space<hbm>>
    %dma_start3A_164 = arith.constant 0 : i32
    %dma_start3A_165 = arith.constant 0 : i32
    %dma_start3A_166 = tpu.memref_slice %arg9[%dma_start3A_164, %dma_start3A_165] : memref<16x768xf32, #tpu.memory_space<vmem>> -> memref<16x768xf32, #tpu.memory_space<vmem>>
    tpu.enqueue_dma source(%dma_start3A_166 : memref<16x768xf32, #tpu.memory_space<vmem>>) target(%dma_start3A_163 : memref<16x768xf32, #tpu.memory_space<hbm>>) target_semaphore(%arg23 : memref<!tpu.dma_semaphore, #tpu.memory_space<semaphore_mem>>)
    %dma_start3A_167 = arith.constant 0 : i32
    %dma_start3A_168 = arith.constant 0 : i32
    %dma_start3A_169 = tpu.memref_slice %arg13[%dma_start3A_167, %dma_start3A_168] : memref<16x768xf32, #tpu.memory_space<vmem>> -> memref<16x768xf32, #tpu.memory_space<vmem>>
    %dma_start3A_170 = arith.constant 96 : i32
    %dma_start3A_171 = tpu.memref_slice %arg5[%dma_start3A_170] : memref<256xi32, #tpu.memory_space<vmem>> -> memref<16xi32, #tpu.memory_space<vmem>>
    %dma_start3A_172 = arith.constant 0 : i32
    %dma_start3A_173 = arith.constant 0 : i32
    %dma_start3A_174 = tpu.memref_slice %arg2[%dma_start3A_172, %dma_start3A_173] : memref<100000x768xf32, #tpu.memory_space<hbm>> -> memref<100000x768xf32, #tpu.memory_space<hbm>>
    tpu.enqueue_indirect_dma source(%dma_start3A_174 : memref<100000x768xf32, #tpu.memory_space<hbm>>) target(%dma_start3A_169 : memref<16x768xf32, #tpu.memory_space<vmem>>) offsets(%dma_start3A_171 : memref<16xi32, #tpu.memory_space<vmem>>) semaphore(%arg19 : memref<!tpu.dma_semaphore, #tpu.memory_space<semaphore_mem>>)
    %dma_wait3A_175 = arith.constant 0 : i32
    %dma_wait3A_176 = arith.constant 0 : i32
    %dma_wait3A_177 = tpu.memref_slice %arg10[%dma_wait3A_175, %dma_wait3A_176] : memref<16x768xf32, #tpu.memory_space<vmem>> -> memref<16x768xf32, #tpu.memory_space<vmem>>
    %dma_wait3A_178 = arith.constant 48 : i32
    %dma_wait3A_179 = tpu.memref_slice %arg5[%dma_wait3A_178] : memref<256xi32, #tpu.memory_space<vmem>> -> memref<16xi32, #tpu.memory_space<vmem>>
    %dma_wait3A_180 = arith.constant 0 : i32
    %dma_wait3A_181 = arith.constant 0 : i32
    %dma_wait3A_182 = tpu.memref_slice %arg2[%dma_wait3A_180, %dma_wait3A_181] : memref<100000x768xf32, #tpu.memory_space<hbm>> -> memref<100000x768xf32, #tpu.memory_space<hbm>>
    tpu.wait_indirect_dma semaphore(%arg16 : memref<!tpu.dma_semaphore, #tpu.memory_space<semaphore_mem>>) src(%dma_wait3A_182 : memref<100000x768xf32, #tpu.memory_space<hbm>>) dst(%dma_wait3A_177 : memref<16x768xf32, #tpu.memory_space<vmem>>)
    %add3A_183 = arith.constant 48 : i32
    %add3A_184 = arith.addi %mul3A_2, %add3A_183 : i32
    %dma_start3A_185 = arith.constant 0 : i32
    %dma_start3A_186 = arith.constant 0 : i32
    %dma_start3A_187 = tpu.memref_slice %arg10[%dma_start3A_185, %dma_start3A_186] : memref<16x768xf32, #tpu.memory_space<vmem>> -> memref<16x768xf32, #tpu.memory_space<vmem>>
    %dma_start3A_188 = arith.constant 0 : i32
    %dma_start3A_189 = tpu.memref_slice %arg4[%add3A_184, %dma_start3A_188] : memref<8192x768xf32, #tpu.memory_space<hbm>> -> memref<16x768xf32, #tpu.memory_space<hbm>>
    %dma_start3A_190 = arith.constant 0 : i32
    %dma_start3A_191 = tpu.memref_slice %arg4[%add3A_184, %dma_start3A_190] : memref<8192x768xf32, #tpu.memory_space<hbm>> -> memref<16x768xf32, #tpu.memory_space<hbm>>
    %dma_start3A_192 = arith.constant 0 : i32
    %dma_start3A_193 = arith.constant 0 : i32
    %dma_start3A_194 = tpu.memref_slice %arg10[%dma_start3A_192, %dma_start3A_193] : memref<16x768xf32, #tpu.memory_space<vmem>> -> memref<16x768xf32, #tpu.memory_space<vmem>>
    tpu.enqueue_dma source(%dma_start3A_194 : memref<16x768xf32, #tpu.memory_space<vmem>>) target(%dma_start3A_191 : memref<16x768xf32, #tpu.memory_space<hbm>>) target_semaphore(%arg24 : memref<!tpu.dma_semaphore, #tpu.memory_space<semaphore_mem>>)
    %dma_start3A_195 = arith.constant 0 : i32
    %dma_start3A_196 = arith.constant 0 : i32
    %dma_start3A_197 = tpu.memref_slice %arg14[%dma_start3A_195, %dma_start3A_196] : memref<16x768xf32, #tpu.memory_space<vmem>> -> memref<16x768xf32, #tpu.memory_space<vmem>>
    %dma_start3A_198 = arith.constant 112 : i32
    %dma_start3A_199 = tpu.memref_slice %arg5[%dma_start3A_198] : memref<256xi32, #tpu.memory_space<vmem>> -> memref<16xi32, #tpu.memory_space<vmem>>
    %dma_start3A_200 = arith.constant 0 : i32
    %dma_start3A_201 = arith.constant 0 : i32
    %dma_start3A_202 = tpu.memref_slice %arg2[%dma_start3A_200, %dma_start3A_201] : memref<100000x768xf32, #tpu.memory_space<hbm>> -> memref<100000x768xf32, #tpu.memory_space<hbm>>
    tpu.enqueue_indirect_dma source(%dma_start3A_202 : memref<100000x768xf32, #tpu.memory_space<hbm>>) target(%dma_start3A_197 : memref<16x768xf32, #tpu.memory_space<vmem>>) offsets(%dma_start3A_199 : memref<16xi32, #tpu.memory_space<vmem>>) semaphore(%arg16 : memref<!tpu.dma_semaphore, #tpu.memory_space<semaphore_mem>>)
    %dma_wait3A_203 = arith.constant 0 : i32
    %dma_wait3A_204 = arith.constant 0 : i32
    %dma_wait3A_205 = tpu.memref_slice %arg11[%dma_wait3A_203, %dma_wait3A_204] : memref<16x768xf32, #tpu.memory_space<vmem>> -> memref<16x768xf32, #tpu.memory_space<vmem>>
    %dma_wait3A_206 = arith.constant 64 : i32
    %dma_wait3A_207 = tpu.memref_slice %arg5[%dma_wait3A_206] : memref<256xi32, #tpu.memory_space<vmem>> -> memref<16xi32, #tpu.memory_space<vmem>>
    %dma_wait3A_208 = arith.constant 0 : i32
    %dma_wait3A_209 = arith.constant 0 : i32
    %dma_wait3A_210 = tpu.memref_slice %arg2[%dma_wait3A_208, %dma_wait3A_209] : memref<100000x768xf32, #tpu.memory_space<hbm>> -> memref<100000x768xf32, #tpu.memory_space<hbm>>
    tpu.wait_indirect_dma semaphore(%arg17 : memref<!tpu.dma_semaphore, #tpu.memory_space<semaphore_mem>>) src(%dma_wait3A_210 : memref<100000x768xf32, #tpu.memory_space<hbm>>) dst(%dma_wait3A_205 : memref<16x768xf32, #tpu.memory_space<vmem>>)
    %add3A_211 = arith.constant 64 : i32
    %add3A_212 = arith.addi %mul3A_2, %add3A_211 : i32
    %dma_start3A_213 = arith.constant 0 : i32
    %dma_start3A_214 = arith.constant 0 : i32
    %dma_start3A_215 = tpu.memref_slice %arg11[%dma_start3A_213, %dma_start3A_214] : memref<16x768xf32, #tpu.memory_space<vmem>> -> memref<16x768xf32, #tpu.memory_space<vmem>>
    %dma_start3A_216 = arith.constant 0 : i32
    %dma_start3A_217 = tpu.memref_slice %arg4[%add3A_212, %dma_start3A_216] : memref<8192x768xf32, #tpu.memory_space<hbm>> -> memref<16x768xf32, #tpu.memory_space<hbm>>
    %dma_start3A_218 = arith.constant 0 : i32
    %dma_start3A_219 = tpu.memref_slice %arg4[%add3A_212, %dma_start3A_218] : memref<8192x768xf32, #tpu.memory_space<hbm>> -> memref<16x768xf32, #tpu.memory_space<hbm>>
    %dma_start3A_220 = arith.constant 0 : i32
    %dma_start3A_221 = arith.constant 0 : i32
    %dma_start3A_222 = tpu.memref_slice %arg11[%dma_start3A_220, %dma_start3A_221] : memref<16x768xf32, #tpu.memory_space<vmem>> -> memref<16x768xf32, #tpu.memory_space<vmem>>
    tpu.enqueue_dma source(%dma_start3A_222 : memref<16x768xf32, #tpu.memory_space<vmem>>) target(%dma_start3A_219 : memref<16x768xf32, #tpu.memory_space<hbm>>) target_semaphore(%arg25 : memref<!tpu.dma_semaphore, #tpu.memory_space<semaphore_mem>>)
    %dma_start3A_223 = arith.constant 0 : i32
    %dma_start3A_224 = arith.constant 0 : i32
    %dma_start3A_225 = tpu.memref_slice %arg15[%dma_start3A_223, %dma_start3A_224] : memref<16x768xf32, #tpu.memory_space<vmem>> -> memref<16x768xf32, #tpu.memory_space<vmem>>
    %dma_start3A_226 = arith.constant 128 : i32
    %dma_start3A_227 = tpu.memref_slice %arg5[%dma_start3A_226] : memref<256xi32, #tpu.memory_space<vmem>> -> memref<16xi32, #tpu.memory_space<vmem>>
    %dma_start3A_228 = arith.constant 0 : i32
    %dma_start3A_229 = arith.constant 0 : i32
    %dma_start3A_230 = tpu.memref_slice %arg2[%dma_start3A_228, %dma_start3A_229] : memref<100000x768xf32, #tpu.memory_space<hbm>> -> memref<100000x768xf32, #tpu.memory_space<hbm>>
    tpu.enqueue_indirect_dma source(%dma_start3A_230 : memref<100000x768xf32, #tpu.memory_space<hbm>>) target(%dma_start3A_225 : memref<16x768xf32, #tpu.memory_space<vmem>>) offsets(%dma_start3A_227 : memref<16xi32, #tpu.memory_space<vmem>>) semaphore(%arg17 : memref<!tpu.dma_semaphore, #tpu.memory_space<semaphore_mem>>)
    %dma_wait3A_231 = arith.constant 0 : i32
    %dma_wait3A_232 = arith.constant 0 : i32
    %dma_wait3A_233 = tpu.memref_slice %arg12[%dma_wait3A_231, %dma_wait3A_232] : memref<16x768xf32, #tpu.memory_space<vmem>> -> memref<16x768xf32, #tpu.memory_space<vmem>>
    %dma_wait3A_234 = arith.constant 80 : i32
    %dma_wait3A_235 = tpu.memref_slice %arg5[%dma_wait3A_234] : memref<256xi32, #tpu.memory_space<vmem>> -> memref<16xi32, #tpu.memory_space<vmem>>
    %dma_wait3A_236 = arith.constant 0 : i32
    %dma_wait3A_237 = arith.constant 0 : i32
    %dma_wait3A_238 = tpu.memref_slice %arg2[%dma_wait3A_236, %dma_wait3A_237] : memref<100000x768xf32, #tpu.memory_space<hbm>> -> memref<100000x768xf32, #tpu.memory_space<hbm>>
    tpu.wait_indirect_dma semaphore(%arg18 : memref<!tpu.dma_semaphore, #tpu.memory_space<semaphore_mem>>) src(%dma_wait3A_238 : memref<100000x768xf32, #tpu.memory_space<hbm>>) dst(%dma_wait3A_233 : memref<16x768xf32, #tpu.memory_space<vmem>>)
    %add3A_239 = arith.constant 80 : i32
    %add3A_240 = arith.addi %mul3A_2, %add3A_239 : i32
    %dma_start3A_241 = arith.constant 0 : i32
    %dma_start3A_242 = arith.constant 0 : i32
    %dma_start3A_243 = tpu.memref_slice %arg12[%dma_start3A_241, %dma_start3A_242] : memref<16x768xf32, #tpu.memory_space<vmem>> -> memref<16x768xf32, #tpu.memory_space<vmem>>
    %dma_start3A_244 = arith.constant 0 : i32
    %dma_start3A_245 = tpu.memref_slice %arg4[%add3A_240, %dma_start3A_244] : memref<8192x768xf32, #tpu.memory_space<hbm>> -> memref<16x768xf32, #tpu.memory_space<hbm>>
    %dma_start3A_246 = arith.constant 0 : i32
    %dma_start3A_247 = tpu.memref_slice %arg4[%add3A_240, %dma_start3A_246] : memref<8192x768xf32, #tpu.memory_space<hbm>> -> memref<16x768xf32, #tpu.memory_space<hbm>>
    %dma_start3A_248 = arith.constant 0 : i32
    %dma_start3A_249 = arith.constant 0 : i32
    %dma_start3A_250 = tpu.memref_slice %arg12[%dma_start3A_248, %dma_start3A_249] : memref<16x768xf32, #tpu.memory_space<vmem>> -> memref<16x768xf32, #tpu.memory_space<vmem>>
    tpu.enqueue_dma source(%dma_start3A_250 : memref<16x768xf32, #tpu.memory_space<vmem>>) target(%dma_start3A_247 : memref<16x768xf32, #tpu.memory_space<hbm>>) target_semaphore(%arg26 : memref<!tpu.dma_semaphore, #tpu.memory_space<semaphore_mem>>)
    %dma_wait3A_251 = arith.constant 0 : i32
    %dma_wait3A_252 = arith.constant 0 : i32
    %dma_wait3A_253 = tpu.memref_slice %arg6[%dma_wait3A_251, %dma_wait3A_252] : memref<16x768xf32, #tpu.memory_space<vmem>> -> memref<8x768xf32, #tpu.memory_space<vmem>>
    %dma_wait3A_254 = arith.constant 0 : i32
    %dma_wait3A_255 = tpu.memref_slice %arg4[%add3A_72, %dma_wait3A_254] : memref<8192x768xf32, #tpu.memory_space<hbm>> -> memref<8x768xf32, #tpu.memory_space<hbm>>
    %dma_wait3A_256 = arith.constant 0 : i32
    %dma_wait3A_257 = tpu.memref_slice %arg4[%add3A_72, %dma_wait3A_256] : memref<8192x768xf32, #tpu.memory_space<hbm>> -> memref<8x768xf32, #tpu.memory_space<hbm>>
    %dma_wait3A_258 = arith.constant 0 : i32
    %dma_wait3A_259 = arith.constant 0 : i32
    %dma_wait3A_260 = tpu.memref_slice %arg6[%dma_wait3A_258, %dma_wait3A_259] : memref<16x768xf32, #tpu.memory_space<vmem>> -> memref<8x768xf32, #tpu.memory_space<vmem>>
    tpu.wait_dma2 semaphore(%arg20 : memref<!tpu.dma_semaphore, #tpu.memory_space<semaphore_mem>>) src(%dma_wait3A_260 : memref<8x768xf32, #tpu.memory_space<vmem>>) dst(%dma_wait3A_257 : memref<8x768xf32, #tpu.memory_space<hbm>>)
    %dma_start3A_261 = arith.constant 0 : i32
    %dma_start3A_262 = arith.constant 0 : i32
    %dma_start3A_263 = tpu.memref_slice %arg6[%dma_start3A_261, %dma_start3A_262] : memref<16x768xf32, #tpu.memory_space<vmem>> -> memref<16x768xf32, #tpu.memory_space<vmem>>
    %dma_start3A_264 = arith.constant 144 : i32
    %dma_start3A_265 = tpu.memref_slice %arg5[%dma_start3A_264] : memref<256xi32, #tpu.memory_space<vmem>> -> memref<16xi32, #tpu.memory_space<vmem>>
    %dma_start3A_266 = arith.constant 0 : i32
    %dma_start3A_267 = arith.constant 0 : i32
    %dma_start3A_268 = tpu.memref_slice %arg2[%dma_start3A_266, %dma_start3A_267] : memref<100000x768xf32, #tpu.memory_space<hbm>> -> memref<100000x768xf32, #tpu.memory_space<hbm>>
    tpu.enqueue_indirect_dma source(%dma_start3A_268 : memref<100000x768xf32, #tpu.memory_space<hbm>>) target(%dma_start3A_263 : memref<16x768xf32, #tpu.memory_space<vmem>>) offsets(%dma_start3A_265 : memref<16xi32, #tpu.memory_space<vmem>>) semaphore(%arg18 : memref<!tpu.dma_semaphore, #tpu.memory_space<semaphore_mem>>)
    %dma_wait3A_269 = arith.constant 0 : i32
    %dma_wait3A_270 = arith.constant 0 : i32
    %dma_wait3A_271 = tpu.memref_slice %arg13[%dma_wait3A_269, %dma_wait3A_270] : memref<16x768xf32, #tpu.memory_space<vmem>> -> memref<16x768xf32, #tpu.memory_space<vmem>>
    %dma_wait3A_272 = arith.constant 96 : i32
    %dma_wait3A_273 = tpu.memref_slice %arg5[%dma_wait3A_272] : memref<256xi32, #tpu.memory_space<vmem>> -> memref<16xi32, #tpu.memory_space<vmem>>
    %dma_wait3A_274 = arith.constant 0 : i32
    %dma_wait3A_275 = arith.constant 0 : i32
    %dma_wait3A_276 = tpu.memref_slice %arg2[%dma_wait3A_274, %dma_wait3A_275] : memref<100000x768xf32, #tpu.memory_space<hbm>> -> memref<100000x768xf32, #tpu.memory_space<hbm>>
    tpu.wait_indirect_dma semaphore(%arg19 : memref<!tpu.dma_semaphore, #tpu.memory_space<semaphore_mem>>) src(%dma_wait3A_276 : memref<100000x768xf32, #tpu.memory_space<hbm>>) dst(%dma_wait3A_271 : memref<16x768xf32, #tpu.memory_space<vmem>>)
    %add3A_277 = arith.constant 96 : i32
    %add3A_278 = arith.addi %mul3A_2, %add3A_277 : i32
    %dma_start3A_279 = arith.constant 0 : i32
    %dma_start3A_280 = arith.constant 0 : i32
    %dma_start3A_281 = tpu.memref_slice %arg13[%dma_start3A_279, %dma_start3A_280] : memref<16x768xf32, #tpu.memory_space<vmem>> -> memref<16x768xf32, #tpu.memory_space<vmem>>
    %dma_start3A_282 = arith.constant 0 : i32
    %dma_start3A_283 = tpu.memref_slice %arg4[%add3A_278, %dma_start3A_282] : memref<8192x768xf32, #tpu.memory_space<hbm>> -> memref<16x768xf32, #tpu.memory_space<hbm>>
    %dma_start3A_284 = arith.constant 0 : i32
    %dma_start3A_285 = tpu.memref_slice %arg4[%add3A_278, %dma_start3A_284] : memref<8192x768xf32, #tpu.memory_space<hbm>> -> memref<16x768xf32, #tpu.memory_space<hbm>>
    %dma_start3A_286 = arith.constant 0 : i32
    %dma_start3A_287 = arith.constant 0 : i32
    %dma_start3A_288 = tpu.memref_slice %arg13[%dma_start3A_286, %dma_start3A_287] : memref<16x768xf32, #tpu.memory_space<vmem>> -> memref<16x768xf32, #tpu.memory_space<vmem>>
    tpu.enqueue_dma source(%dma_start3A_288 : memref<16x768xf32, #tpu.memory_space<vmem>>) target(%dma_start3A_285 : memref<16x768xf32, #tpu.memory_space<hbm>>) target_semaphore(%arg27 : memref<!tpu.dma_semaphore, #tpu.memory_space<semaphore_mem>>)
    %dma_wait3A_289 = arith.constant 0 : i32
    %dma_wait3A_290 = arith.constant 0 : i32
    %dma_wait3A_291 = tpu.memref_slice %arg7[%dma_wait3A_289, %dma_wait3A_290] : memref<16x768xf32, #tpu.memory_space<vmem>> -> memref<8x768xf32, #tpu.memory_space<vmem>>
    %dma_wait3A_292 = arith.constant 0 : i32
    %dma_wait3A_293 = tpu.memref_slice %arg4[%add3A_100, %dma_wait3A_292] : memref<8192x768xf32, #tpu.memory_space<hbm>> -> memref<8x768xf32, #tpu.memory_space<hbm>>
    %dma_wait3A_294 = arith.constant 0 : i32
    %dma_wait3A_295 = tpu.memref_slice %arg4[%add3A_100, %dma_wait3A_294] : memref<8192x768xf32, #tpu.memory_space<hbm>> -> memref<8x768xf32, #tpu.memory_space<hbm>>
    %dma_wait3A_296 = arith.constant 0 : i32
    %dma_wait3A_297 = arith.constant 0 : i32
    %dma_wait3A_298 = tpu.memref_slice %arg7[%dma_wait3A_296, %dma_wait3A_297] : memref<16x768xf32, #tpu.memory_space<vmem>> -> memref<8x768xf32, #tpu.memory_space<vmem>>
    tpu.wait_dma2 semaphore(%arg21 : memref<!tpu.dma_semaphore, #tpu.memory_space<semaphore_mem>>) src(%dma_wait3A_298 : memref<8x768xf32, #tpu.memory_space<vmem>>) dst(%dma_wait3A_295 : memref<8x768xf32, #tpu.memory_space<hbm>>)
    %dma_start3A_299 = arith.constant 0 : i32
    %dma_start3A_300 = arith.constant 0 : i32
    %dma_start3A_301 = tpu.memref_slice %arg7[%dma_start3A_299, %dma_start3A_300] : memref<16x768xf32, #tpu.memory_space<vmem>> -> memref<16x768xf32, #tpu.memory_space<vmem>>
    %dma_start3A_302 = arith.constant 160 : i32
    %dma_start3A_303 = tpu.memref_slice %arg5[%dma_start3A_302] : memref<256xi32, #tpu.memory_space<vmem>> -> memref<16xi32, #tpu.memory_space<vmem>>
    %dma_start3A_304 = arith.constant 0 : i32
    %dma_start3A_305 = arith.constant 0 : i32
    %dma_start3A_306 = tpu.memref_slice %arg2[%dma_start3A_304, %dma_start3A_305] : memref<100000x768xf32, #tpu.memory_space<hbm>> -> memref<100000x768xf32, #tpu.memory_space<hbm>>
    tpu.enqueue_indirect_dma source(%dma_start3A_306 : memref<100000x768xf32, #tpu.memory_space<hbm>>) target(%dma_start3A_301 : memref<16x768xf32, #tpu.memory_space<vmem>>) offsets(%dma_start3A_303 : memref<16xi32, #tpu.memory_space<vmem>>) semaphore(%arg19 : memref<!tpu.dma_semaphore, #tpu.memory_space<semaphore_mem>>)
    %dma_wait3A_307 = arith.constant 0 : i32
    %dma_wait3A_308 = arith.constant 0 : i32
    %dma_wait3A_309 = tpu.memref_slice %arg14[%dma_wait3A_307, %dma_wait3A_308] : memref<16x768xf32, #tpu.memory_space<vmem>> -> memref<16x768xf32, #tpu.memory_space<vmem>>
    %dma_wait3A_310 = arith.constant 112 : i32
    %dma_wait3A_311 = tpu.memref_slice %arg5[%dma_wait3A_310] : memref<256xi32, #tpu.memory_space<vmem>> -> memref<16xi32, #tpu.memory_space<vmem>>
    %dma_wait3A_312 = arith.constant 0 : i32
    %dma_wait3A_313 = arith.constant 0 : i32
    %dma_wait3A_314 = tpu.memref_slice %arg2[%dma_wait3A_312, %dma_wait3A_313] : memref<100000x768xf32, #tpu.memory_space<hbm>> -> memref<100000x768xf32, #tpu.memory_space<hbm>>
    tpu.wait_indirect_dma semaphore(%arg16 : memref<!tpu.dma_semaphore, #tpu.memory_space<semaphore_mem>>) src(%dma_wait3A_314 : memref<100000x768xf32, #tpu.memory_space<hbm>>) dst(%dma_wait3A_309 : memref<16x768xf32, #tpu.memory_space<vmem>>)
    %add3A_315 = arith.constant 112 : i32
    %add3A_316 = arith.addi %mul3A_2, %add3A_315 : i32
    %dma_start3A_317 = arith.constant 0 : i32
    %dma_start3A_318 = arith.constant 0 : i32
    %dma_start3A_319 = tpu.memref_slice %arg14[%dma_start3A_317, %dma_start3A_318] : memref<16x768xf32, #tpu.memory_space<vmem>> -> memref<16x768xf32, #tpu.memory_space<vmem>>
    %dma_start3A_320 = arith.constant 0 : i32
    %dma_start3A_321 = tpu.memref_slice %arg4[%add3A_316, %dma_start3A_320] : memref<8192x768xf32, #tpu.memory_space<hbm>> -> memref<16x768xf32, #tpu.memory_space<hbm>>
    %dma_start3A_322 = arith.constant 0 : i32
    %dma_start3A_323 = tpu.memref_slice %arg4[%add3A_316, %dma_start3A_322] : memref<8192x768xf32, #tpu.memory_space<hbm>> -> memref<16x768xf32, #tpu.memory_space<hbm>>
    %dma_start3A_324 = arith.constant 0 : i32
    %dma_start3A_325 = arith.constant 0 : i32
    %dma_start3A_326 = tpu.memref_slice %arg14[%dma_start3A_324, %dma_start3A_325] : memref<16x768xf32, #tpu.memory_space<vmem>> -> memref<16x768xf32, #tpu.memory_space<vmem>>
    tpu.enqueue_dma source(%dma_start3A_326 : memref<16x768xf32, #tpu.memory_space<vmem>>) target(%dma_start3A_323 : memref<16x768xf32, #tpu.memory_space<hbm>>) target_semaphore(%arg28 : memref<!tpu.dma_semaphore, #tpu.memory_space<semaphore_mem>>)
    %dma_wait3A_327 = arith.constant 0 : i32
    %dma_wait3A_328 = arith.constant 0 : i32
    %dma_wait3A_329 = tpu.memref_slice %arg8[%dma_wait3A_327, %dma_wait3A_328] : memref<16x768xf32, #tpu.memory_space<vmem>> -> memref<16x768xf32, #tpu.memory_space<vmem>>
    %dma_wait3A_330 = arith.constant 0 : i32
    %dma_wait3A_331 = tpu.memref_slice %arg4[%add3A_128, %dma_wait3A_330] : memref<8192x768xf32, #tpu.memory_space<hbm>> -> memref<16x768xf32, #tpu.memory_space<hbm>>
    %dma_wait3A_332 = arith.constant 0 : i32
    %dma_wait3A_333 = tpu.memref_slice %arg4[%add3A_128, %dma_wait3A_332] : memref<8192x768xf32, #tpu.memory_space<hbm>> -> memref<16x768xf32, #tpu.memory_space<hbm>>
    %dma_wait3A_334 = arith.constant 0 : i32
    %dma_wait3A_335 = arith.constant 0 : i32
    %dma_wait3A_336 = tpu.memref_slice %arg8[%dma_wait3A_334, %dma_wait3A_335] : memref<16x768xf32, #tpu.memory_space<vmem>> -> memref<16x768xf32, #tpu.memory_space<vmem>>
    tpu.wait_dma2 semaphore(%arg22 : memref<!tpu.dma_semaphore, #tpu.memory_space<semaphore_mem>>) src(%dma_wait3A_336 : memref<16x768xf32, #tpu.memory_space<vmem>>) dst(%dma_wait3A_333 : memref<16x768xf32, #tpu.memory_space<hbm>>)
    %dma_start3A_337 = arith.constant 0 : i32
    %dma_start3A_338 = arith.constant 0 : i32
    %dma_start3A_339 = tpu.memref_slice %arg8[%dma_start3A_337, %dma_start3A_338] : memref<16x768xf32, #tpu.memory_space<vmem>> -> memref<16x768xf32, #tpu.memory_space<vmem>>
    %dma_start3A_340 = arith.constant 176 : i32
    %dma_start3A_341 = tpu.memref_slice %arg5[%dma_start3A_340] : memref<256xi32, #tpu.memory_space<vmem>> -> memref<16xi32, #tpu.memory_space<vmem>>
    %dma_start3A_342 = arith.constant 0 : i32
    %dma_start3A_343 = arith.constant 0 : i32
    %dma_start3A_344 = tpu.memref_slice %arg2[%dma_start3A_342, %dma_start3A_343] : memref<100000x768xf32, #tpu.memory_space<hbm>> -> memref<100000x768xf32, #tpu.memory_space<hbm>>
    tpu.enqueue_indirect_dma source(%dma_start3A_344 : memref<100000x768xf32, #tpu.memory_space<hbm>>) target(%dma_start3A_339 : memref<16x768xf32, #tpu.memory_space<vmem>>) offsets(%dma_start3A_341 : memref<16xi32, #tpu.memory_space<vmem>>) semaphore(%arg16 : memref<!tpu.dma_semaphore, #tpu.memory_space<semaphore_mem>>)
    %dma_wait3A_345 = arith.constant 0 : i32
    %dma_wait3A_346 = arith.constant 0 : i32
    %dma_wait3A_347 = tpu.memref_slice %arg15[%dma_wait3A_345, %dma_wait3A_346] : memref<16x768xf32, #tpu.memory_space<vmem>> -> memref<16x768xf32, #tpu.memory_space<vmem>>
    %dma_wait3A_348 = arith.constant 128 : i32
    %dma_wait3A_349 = tpu.memref_slice %arg5[%dma_wait3A_348] : memref<256xi32, #tpu.memory_space<vmem>> -> memref<16xi32, #tpu.memory_space<vmem>>
    %dma_wait3A_350 = arith.constant 0 : i32
    %dma_wait3A_351 = arith.constant 0 : i32
    %dma_wait3A_352 = tpu.memref_slice %arg2[%dma_wait3A_350, %dma_wait3A_351] : memref<100000x768xf32, #tpu.memory_space<hbm>> -> memref<100000x768xf32, #tpu.memory_space<hbm>>
    tpu.wait_indirect_dma semaphore(%arg17 : memref<!tpu.dma_semaphore, #tpu.memory_space<semaphore_mem>>) src(%dma_wait3A_352 : memref<100000x768xf32, #tpu.memory_space<hbm>>) dst(%dma_wait3A_347 : memref<16x768xf32, #tpu.memory_space<vmem>>)
    %add3A_353 = arith.constant 128 : i32
    %add3A_354 = arith.addi %mul3A_2, %add3A_353 : i32
    %dma_start3A_355 = arith.constant 0 : i32
    %dma_start3A_356 = arith.constant 0 : i32
    %dma_start3A_357 = tpu.memref_slice %arg15[%dma_start3A_355, %dma_start3A_356] : memref<16x768xf32, #tpu.memory_space<vmem>> -> memref<16x768xf32, #tpu.memory_space<vmem>>
    %dma_start3A_358 = arith.constant 0 : i32
    %dma_start3A_359 = tpu.memref_slice %arg4[%add3A_354, %dma_start3A_358] : memref<8192x768xf32, #tpu.memory_space<hbm>> -> memref<16x768xf32, #tpu.memory_space<hbm>>
    %dma_start3A_360 = arith.constant 0 : i32
    %dma_start3A_361 = tpu.memref_slice %arg4[%add3A_354, %dma_start3A_360] : memref<8192x768xf32, #tpu.memory_space<hbm>> -> memref<16x768xf32, #tpu.memory_space<hbm>>
    %dma_start3A_362 = arith.constant 0 : i32
    %dma_start3A_363 = arith.constant 0 : i32
    %dma_start3A_364 = tpu.memref_slice %arg15[%dma_start3A_362, %dma_start3A_363] : memref<16x768xf32, #tpu.memory_space<vmem>> -> memref<16x768xf32, #tpu.memory_space<vmem>>
    tpu.enqueue_dma source(%dma_start3A_364 : memref<16x768xf32, #tpu.memory_space<vmem>>) target(%dma_start3A_361 : memref<16x768xf32, #tpu.memory_space<hbm>>) target_semaphore(%arg29 : memref<!tpu.dma_semaphore, #tpu.memory_space<semaphore_mem>>)
    %dma_wait3A_365 = arith.constant 0 : i32
    %dma_wait3A_366 = arith.constant 0 : i32
    %dma_wait3A_367 = tpu.memref_slice %arg9[%dma_wait3A_365, %dma_wait3A_366] : memref<16x768xf32, #tpu.memory_space<vmem>> -> memref<16x768xf32, #tpu.memory_space<vmem>>
    %dma_wait3A_368 = arith.constant 0 : i32
    %dma_wait3A_369 = tpu.memref_slice %arg4[%add3A_156, %dma_wait3A_368] : memref<8192x768xf32, #tpu.memory_space<hbm>> -> memref<16x768xf32, #tpu.memory_space<hbm>>
    %dma_wait3A_370 = arith.constant 0 : i32
    %dma_wait3A_371 = tpu.memref_slice %arg4[%add3A_156, %dma_wait3A_370] : memref<8192x768xf32, #tpu.memory_space<hbm>> -> memref<16x768xf32, #tpu.memory_space<hbm>>
    %dma_wait3A_372 = arith.constant 0 : i32
    %dma_wait3A_373 = arith.constant 0 : i32
    %dma_wait3A_374 = tpu.memref_slice %arg9[%dma_wait3A_372, %dma_wait3A_373] : memref<16x768xf32, #tpu.memory_space<vmem>> -> memref<16x768xf32, #tpu.memory_space<vmem>>
    tpu.wait_dma2 semaphore(%arg23 : memref<!tpu.dma_semaphore, #tpu.memory_space<semaphore_mem>>) src(%dma_wait3A_374 : memref<16x768xf32, #tpu.memory_space<vmem>>) dst(%dma_wait3A_371 : memref<16x768xf32, #tpu.memory_space<hbm>>)
    %dma_start3A_375 = arith.constant 0 : i32
    %dma_start3A_376 = arith.constant 0 : i32
    %dma_start3A_377 = tpu.memref_slice %arg9[%dma_start3A_375, %dma_start3A_376] : memref<16x768xf32, #tpu.memory_space<vmem>> -> memref<16x768xf32, #tpu.memory_space<vmem>>
    %dma_start3A_378 = arith.constant 192 : i32
    %dma_start3A_379 = tpu.memref_slice %arg5[%dma_start3A_378] : memref<256xi32, #tpu.memory_space<vmem>> -> memref<16xi32, #tpu.memory_space<vmem>>
    %dma_start3A_380 = arith.constant 0 : i32
    %dma_start3A_381 = arith.constant 0 : i32
    %dma_start3A_382 = tpu.memref_slice %arg2[%dma_start3A_380, %dma_start3A_381] : memref<100000x768xf32, #tpu.memory_space<hbm>> -> memref<100000x768xf32, #tpu.memory_space<hbm>>
    tpu.enqueue_indirect_dma source(%dma_start3A_382 : memref<100000x768xf32, #tpu.memory_space<hbm>>) target(%dma_start3A_377 : memref<16x768xf32, #tpu.memory_space<vmem>>) offsets(%dma_start3A_379 : memref<16xi32, #tpu.memory_space<vmem>>) semaphore(%arg17 : memref<!tpu.dma_semaphore, #tpu.memory_space<semaphore_mem>>)
    %dma_wait3A_383 = arith.constant 0 : i32
    %dma_wait3A_384 = arith.constant 0 : i32
    %dma_wait3A_385 = tpu.memref_slice %arg6[%dma_wait3A_383, %dma_wait3A_384] : memref<16x768xf32, #tpu.memory_space<vmem>> -> memref<16x768xf32, #tpu.memory_space<vmem>>
    %dma_wait3A_386 = arith.constant 144 : i32
    %dma_wait3A_387 = tpu.memref_slice %arg5[%dma_wait3A_386] : memref<256xi32, #tpu.memory_space<vmem>> -> memref<16xi32, #tpu.memory_space<vmem>>
    %dma_wait3A_388 = arith.constant 0 : i32
    %dma_wait3A_389 = arith.constant 0 : i32
    %dma_wait3A_390 = tpu.memref_slice %arg2[%dma_wait3A_388, %dma_wait3A_389] : memref<100000x768xf32, #tpu.memory_space<hbm>> -> memref<100000x768xf32, #tpu.memory_space<hbm>>
    tpu.wait_indirect_dma semaphore(%arg18 : memref<!tpu.dma_semaphore, #tpu.memory_space<semaphore_mem>>) src(%dma_wait3A_390 : memref<100000x768xf32, #tpu.memory_space<hbm>>) dst(%dma_wait3A_385 : memref<16x768xf32, #tpu.memory_space<vmem>>)
    %add3A_391 = arith.constant 144 : i32
    %add3A_392 = arith.addi %mul3A_2, %add3A_391 : i32
    %dma_start3A_393 = arith.constant 0 : i32
    %dma_start3A_394 = arith.constant 0 : i32
    %dma_start3A_395 = tpu.memref_slice %arg6[%dma_start3A_393, %dma_start3A_394] : memref<16x768xf32, #tpu.memory_space<vmem>> -> memref<16x768xf32, #tpu.memory_space<vmem>>
    %dma_start3A_396 = arith.constant 0 : i32
    %dma_start3A_397 = tpu.memref_slice %arg4[%add3A_392, %dma_start3A_396] : memref<8192x768xf32, #tpu.memory_space<hbm>> -> memref<16x768xf32, #tpu.memory_space<hbm>>
    %dma_start3A_398 = arith.constant 0 : i32
    %dma_start3A_399 = tpu.memref_slice %arg4[%add3A_392, %dma_start3A_398] : memref<8192x768xf32, #tpu.memory_space<hbm>> -> memref<16x768xf32, #tpu.memory_space<hbm>>
    %dma_start3A_400 = arith.constant 0 : i32
    %dma_start3A_401 = arith.constant 0 : i32
    %dma_start3A_402 = tpu.memref_slice %arg6[%dma_start3A_400, %dma_start3A_401] : memref<16x768xf32, #tpu.memory_space<vmem>> -> memref<16x768xf32, #tpu.memory_space<vmem>>
    tpu.enqueue_dma source(%dma_start3A_402 : memref<16x768xf32, #tpu.memory_space<vmem>>) target(%dma_start3A_399 : memref<16x768xf32, #tpu.memory_space<hbm>>) target_semaphore(%arg20 : memref<!tpu.dma_semaphore, #tpu.memory_space<semaphore_mem>>)
    %dma_wait3A_403 = arith.constant 0 : i32
    %dma_wait3A_404 = arith.constant 0 : i32
    %dma_wait3A_405 = tpu.memref_slice %arg10[%dma_wait3A_403, %dma_wait3A_404] : memref<16x768xf32, #tpu.memory_space<vmem>> -> memref<16x768xf32, #tpu.memory_space<vmem>>
    %dma_wait3A_406 = arith.constant 0 : i32
    %dma_wait3A_407 = tpu.memref_slice %arg4[%add3A_184, %dma_wait3A_406] : memref<8192x768xf32, #tpu.memory_space<hbm>> -> memref<16x768xf32, #tpu.memory_space<hbm>>
    %dma_wait3A_408 = arith.constant 0 : i32
    %dma_wait3A_409 = tpu.memref_slice %arg4[%add3A_184, %dma_wait3A_408] : memref<8192x768xf32, #tpu.memory_space<hbm>> -> memref<16x768xf32, #tpu.memory_space<hbm>>
    %dma_wait3A_410 = arith.constant 0 : i32
    %dma_wait3A_411 = arith.constant 0 : i32
    %dma_wait3A_412 = tpu.memref_slice %arg10[%dma_wait3A_410, %dma_wait3A_411] : memref<16x768xf32, #tpu.memory_space<vmem>> -> memref<16x768xf32, #tpu.memory_space<vmem>>
    tpu.wait_dma2 semaphore(%arg24 : memref<!tpu.dma_semaphore, #tpu.memory_space<semaphore_mem>>) src(%dma_wait3A_412 : memref<16x768xf32, #tpu.memory_space<vmem>>) dst(%dma_wait3A_409 : memref<16x768xf32, #tpu.memory_space<hbm>>)
    %dma_start3A_413 = arith.constant 0 : i32
    %dma_start3A_414 = arith.constant 0 : i32
    %dma_start3A_415 = tpu.memref_slice %arg10[%dma_start3A_413, %dma_start3A_414] : memref<16x768xf32, #tpu.memory_space<vmem>> -> memref<16x768xf32, #tpu.memory_space<vmem>>
    %dma_start3A_416 = arith.constant 208 : i32
    %dma_start3A_417 = tpu.memref_slice %arg5[%dma_start3A_416] : memref<256xi32, #tpu.memory_space<vmem>> -> memref<16xi32, #tpu.memory_space<vmem>>
    %dma_start3A_418 = arith.constant 0 : i32
    %dma_start3A_419 = arith.constant 0 : i32
    %dma_start3A_420 = tpu.memref_slice %arg2[%dma_start3A_418, %dma_start3A_419] : memref<100000x768xf32, #tpu.memory_space<hbm>> -> memref<100000x768xf32, #tpu.memory_space<hbm>>
    tpu.enqueue_indirect_dma source(%dma_start3A_420 : memref<100000x768xf32, #tpu.memory_space<hbm>>) target(%dma_start3A_415 : memref<16x768xf32, #tpu.memory_space<vmem>>) offsets(%dma_start3A_417 : memref<16xi32, #tpu.memory_space<vmem>>) semaphore(%arg18 : memref<!tpu.dma_semaphore, #tpu.memory_space<semaphore_mem>>)
    %dma_wait3A_421 = arith.constant 0 : i32
    %dma_wait3A_422 = arith.constant 0 : i32
    %dma_wait3A_423 = tpu.memref_slice %arg7[%dma_wait3A_421, %dma_wait3A_422] : memref<16x768xf32, #tpu.memory_space<vmem>> -> memref<16x768xf32, #tpu.memory_space<vmem>>
    %dma_wait3A_424 = arith.constant 160 : i32
    %dma_wait3A_425 = tpu.memref_slice %arg5[%dma_wait3A_424] : memref<256xi32, #tpu.memory_space<vmem>> -> memref<16xi32, #tpu.memory_space<vmem>>
    %dma_wait3A_426 = arith.constant 0 : i32
    %dma_wait3A_427 = arith.constant 0 : i32
    %dma_wait3A_428 = tpu.memref_slice %arg2[%dma_wait3A_426, %dma_wait3A_427] : memref<100000x768xf32, #tpu.memory_space<hbm>> -> memref<100000x768xf32, #tpu.memory_space<hbm>>
    tpu.wait_indirect_dma semaphore(%arg19 : memref<!tpu.dma_semaphore, #tpu.memory_space<semaphore_mem>>) src(%dma_wait3A_428 : memref<100000x768xf32, #tpu.memory_space<hbm>>) dst(%dma_wait3A_423 : memref<16x768xf32, #tpu.memory_space<vmem>>)
    %add3A_429 = arith.constant 160 : i32
    %add3A_430 = arith.addi %mul3A_2, %add3A_429 : i32
    %dma_start3A_431 = arith.constant 0 : i32
    %dma_start3A_432 = arith.constant 0 : i32
    %dma_start3A_433 = tpu.memref_slice %arg7[%dma_start3A_431, %dma_start3A_432] : memref<16x768xf32, #tpu.memory_space<vmem>> -> memref<16x768xf32, #tpu.memory_space<vmem>>
    %dma_start3A_434 = arith.constant 0 : i32
    %dma_start3A_435 = tpu.memref_slice %arg4[%add3A_430, %dma_start3A_434] : memref<8192x768xf32, #tpu.memory_space<hbm>> -> memref<16x768xf32, #tpu.memory_space<hbm>>
    %dma_start3A_436 = arith.constant 0 : i32
    %dma_start3A_437 = tpu.memref_slice %arg4[%add3A_430, %dma_start3A_436] : memref<8192x768xf32, #tpu.memory_space<hbm>> -> memref<16x768xf32, #tpu.memory_space<hbm>>
    %dma_start3A_438 = arith.constant 0 : i32
    %dma_start3A_439 = arith.constant 0 : i32
    %dma_start3A_440 = tpu.memref_slice %arg7[%dma_start3A_438, %dma_start3A_439] : memref<16x768xf32, #tpu.memory_space<vmem>> -> memref<16x768xf32, #tpu.memory_space<vmem>>
    tpu.enqueue_dma source(%dma_start3A_440 : memref<16x768xf32, #tpu.memory_space<vmem>>) target(%dma_start3A_437 : memref<16x768xf32, #tpu.memory_space<hbm>>) target_semaphore(%arg21 : memref<!tpu.dma_semaphore, #tpu.memory_space<semaphore_mem>>)
    %dma_wait3A_441 = arith.constant 0 : i32
    %dma_wait3A_442 = arith.constant 0 : i32
    %dma_wait3A_443 = tpu.memref_slice %arg11[%dma_wait3A_441, %dma_wait3A_442] : memref<16x768xf32, #tpu.memory_space<vmem>> -> memref<16x768xf32, #tpu.memory_space<vmem>>
    %dma_wait3A_444 = arith.constant 0 : i32
    %dma_wait3A_445 = tpu.memref_slice %arg4[%add3A_212, %dma_wait3A_444] : memref<8192x768xf32, #tpu.memory_space<hbm>> -> memref<16x768xf32, #tpu.memory_space<hbm>>
    %dma_wait3A_446 = arith.constant 0 : i32
    %dma_wait3A_447 = tpu.memref_slice %arg4[%add3A_212, %dma_wait3A_446] : memref<8192x768xf32, #tpu.memory_space<hbm>> -> memref<16x768xf32, #tpu.memory_space<hbm>>
    %dma_wait3A_448 = arith.constant 0 : i32
    %dma_wait3A_449 = arith.constant 0 : i32
    %dma_wait3A_450 = tpu.memref_slice %arg11[%dma_wait3A_448, %dma_wait3A_449] : memref<16x768xf32, #tpu.memory_space<vmem>> -> memref<16x768xf32, #tpu.memory_space<vmem>>
    tpu.wait_dma2 semaphore(%arg25 : memref<!tpu.dma_semaphore, #tpu.memory_space<semaphore_mem>>) src(%dma_wait3A_450 : memref<16x768xf32, #tpu.memory_space<vmem>>) dst(%dma_wait3A_447 : memref<16x768xf32, #tpu.memory_space<hbm>>)
    %dma_start3A_451 = arith.constant 0 : i32
    %dma_start3A_452 = arith.constant 0 : i32
    %dma_start3A_453 = tpu.memref_slice %arg11[%dma_start3A_451, %dma_start3A_452] : memref<16x768xf32, #tpu.memory_space<vmem>> -> memref<16x768xf32, #tpu.memory_space<vmem>>
    %dma_start3A_454 = arith.constant 224 : i32
    %dma_start3A_455 = tpu.memref_slice %arg5[%dma_start3A_454] : memref<256xi32, #tpu.memory_space<vmem>> -> memref<16xi32, #tpu.memory_space<vmem>>
    %dma_start3A_456 = arith.constant 0 : i32
    %dma_start3A_457 = arith.constant 0 : i32
    %dma_start3A_458 = tpu.memref_slice %arg2[%dma_start3A_456, %dma_start3A_457] : memref<100000x768xf32, #tpu.memory_space<hbm>> -> memref<100000x768xf32, #tpu.memory_space<hbm>>
    tpu.enqueue_indirect_dma source(%dma_start3A_458 : memref<100000x768xf32, #tpu.memory_space<hbm>>) target(%dma_start3A_453 : memref<16x768xf32, #tpu.memory_space<vmem>>) offsets(%dma_start3A_455 : memref<16xi32, #tpu.memory_space<vmem>>) semaphore(%arg19 : memref<!tpu.dma_semaphore, #tpu.memory_space<semaphore_mem>>)
    %dma_wait3A_459 = arith.constant 0 : i32
    %dma_wait3A_460 = arith.constant 0 : i32
    %dma_wait3A_461 = tpu.memref_slice %arg8[%dma_wait3A_459, %dma_wait3A_460] : memref<16x768xf32, #tpu.memory_space<vmem>> -> memref<16x768xf32, #tpu.memory_space<vmem>>
    %dma_wait3A_462 = arith.constant 176 : i32
    %dma_wait3A_463 = tpu.memref_slice %arg5[%dma_wait3A_462] : memref<256xi32, #tpu.memory_space<vmem>> -> memref<16xi32, #tpu.memory_space<vmem>>
    %dma_wait3A_464 = arith.constant 0 : i32
    %dma_wait3A_465 = arith.constant 0 : i32
    %dma_wait3A_466 = tpu.memref_slice %arg2[%dma_wait3A_464, %dma_wait3A_465] : memref<100000x768xf32, #tpu.memory_space<hbm>> -> memref<100000x768xf32, #tpu.memory_space<hbm>>
    tpu.wait_indirect_dma semaphore(%arg16 : memref<!tpu.dma_semaphore, #tpu.memory_space<semaphore_mem>>) src(%dma_wait3A_466 : memref<100000x768xf32, #tpu.memory_space<hbm>>) dst(%dma_wait3A_461 : memref<16x768xf32, #tpu.memory_space<vmem>>)
    %add3A_467 = arith.constant 176 : i32
    %add3A_468 = arith.addi %mul3A_2, %add3A_467 : i32
    %dma_start3A_469 = arith.constant 0 : i32
    %dma_start3A_470 = arith.constant 0 : i32
    %dma_start3A_471 = tpu.memref_slice %arg8[%dma_start3A_469, %dma_start3A_470] : memref<16x768xf32, #tpu.memory_space<vmem>> -> memref<16x768xf32, #tpu.memory_space<vmem>>
    %dma_start3A_472 = arith.constant 0 : i32
    %dma_start3A_473 = tpu.memref_slice %arg4[%add3A_468, %dma_start3A_472] : memref<8192x768xf32, #tpu.memory_space<hbm>> -> memref<16x768xf32, #tpu.memory_space<hbm>>
    %dma_start3A_474 = arith.constant 0 : i32
    %dma_start3A_475 = tpu.memref_slice %arg4[%add3A_468, %dma_start3A_474] : memref<8192x768xf32, #tpu.memory_space<hbm>> -> memref<16x768xf32, #tpu.memory_space<hbm>>
    %dma_start3A_476 = arith.constant 0 : i32
    %dma_start3A_477 = arith.constant 0 : i32
    %dma_start3A_478 = tpu.memref_slice %arg8[%dma_start3A_476, %dma_start3A_477] : memref<16x768xf32, #tpu.memory_space<vmem>> -> memref<16x768xf32, #tpu.memory_space<vmem>>
    tpu.enqueue_dma source(%dma_start3A_478 : memref<16x768xf32, #tpu.memory_space<vmem>>) target(%dma_start3A_475 : memref<16x768xf32, #tpu.memory_space<hbm>>) target_semaphore(%arg22 : memref<!tpu.dma_semaphore, #tpu.memory_space<semaphore_mem>>)
    %dma_wait3A_479 = arith.constant 0 : i32
    %dma_wait3A_480 = arith.constant 0 : i32
    %dma_wait3A_481 = tpu.memref_slice %arg12[%dma_wait3A_479, %dma_wait3A_480] : memref<16x768xf32, #tpu.memory_space<vmem>> -> memref<16x768xf32, #tpu.memory_space<vmem>>
    %dma_wait3A_482 = arith.constant 0 : i32
    %dma_wait3A_483 = tpu.memref_slice %arg4[%add3A_240, %dma_wait3A_482] : memref<8192x768xf32, #tpu.memory_space<hbm>> -> memref<16x768xf32, #tpu.memory_space<hbm>>
    %dma_wait3A_484 = arith.constant 0 : i32
    %dma_wait3A_485 = tpu.memref_slice %arg4[%add3A_240, %dma_wait3A_484] : memref<8192x768xf32, #tpu.memory_space<hbm>> -> memref<16x768xf32, #tpu.memory_space<hbm>>
    %dma_wait3A_486 = arith.constant 0 : i32
    %dma_wait3A_487 = arith.constant 0 : i32
    %dma_wait3A_488 = tpu.memref_slice %arg12[%dma_wait3A_486, %dma_wait3A_487] : memref<16x768xf32, #tpu.memory_space<vmem>> -> memref<16x768xf32, #tpu.memory_space<vmem>>
    tpu.wait_dma2 semaphore(%arg26 : memref<!tpu.dma_semaphore, #tpu.memory_space<semaphore_mem>>) src(%dma_wait3A_488 : memref<16x768xf32, #tpu.memory_space<vmem>>) dst(%dma_wait3A_485 : memref<16x768xf32, #tpu.memory_space<hbm>>)
    %dma_start3A_489 = arith.constant 0 : i32
    %dma_start3A_490 = arith.constant 0 : i32
    %dma_start3A_491 = tpu.memref_slice %arg12[%dma_start3A_489, %dma_start3A_490] : memref<16x768xf32, #tpu.memory_space<vmem>> -> memref<8x768xf32, #tpu.memory_space<vmem>>
    %dma_start3A_492 = arith.constant 240 : i32
    %dma_start3A_493 = tpu.memref_slice %arg5[%dma_start3A_492] : memref<256xi32, #tpu.memory_space<vmem>> -> memref<8xi32, #tpu.memory_space<vmem>>
    %dma_start3A_494 = arith.constant 0 : i32
    %dma_start3A_495 = arith.constant 0 : i32
    %dma_start3A_496 = tpu.memref_slice %arg2[%dma_start3A_494, %dma_start3A_495] : memref<100000x768xf32, #tpu.memory_space<hbm>> -> memref<100000x768xf32, #tpu.memory_space<hbm>>
    tpu.enqueue_indirect_dma source(%dma_start3A_496 : memref<100000x768xf32, #tpu.memory_space<hbm>>) target(%dma_start3A_491 : memref<8x768xf32, #tpu.memory_space<vmem>>) offsets(%dma_start3A_493 : memref<8xi32, #tpu.memory_space<vmem>>) semaphore(%arg16 : memref<!tpu.dma_semaphore, #tpu.memory_space<semaphore_mem>>)
    %dma_wait3A_497 = arith.constant 0 : i32
    %dma_wait3A_498 = arith.constant 0 : i32
    %dma_wait3A_499 = tpu.memref_slice %arg9[%dma_wait3A_497, %dma_wait3A_498] : memref<16x768xf32, #tpu.memory_space<vmem>> -> memref<16x768xf32, #tpu.memory_space<vmem>>
    %dma_wait3A_500 = arith.constant 192 : i32
    %dma_wait3A_501 = tpu.memref_slice %arg5[%dma_wait3A_500] : memref<256xi32, #tpu.memory_space<vmem>> -> memref<16xi32, #tpu.memory_space<vmem>>
    %dma_wait3A_502 = arith.constant 0 : i32
    %dma_wait3A_503 = arith.constant 0 : i32
    %dma_wait3A_504 = tpu.memref_slice %arg2[%dma_wait3A_502, %dma_wait3A_503] : memref<100000x768xf32, #tpu.memory_space<hbm>> -> memref<100000x768xf32, #tpu.memory_space<hbm>>
    tpu.wait_indirect_dma semaphore(%arg17 : memref<!tpu.dma_semaphore, #tpu.memory_space<semaphore_mem>>) src(%dma_wait3A_504 : memref<100000x768xf32, #tpu.memory_space<hbm>>) dst(%dma_wait3A_499 : memref<16x768xf32, #tpu.memory_space<vmem>>)
    %add3A_505 = arith.constant 192 : i32
    %add3A_506 = arith.addi %mul3A_2, %add3A_505 : i32
    %dma_start3A_507 = arith.constant 0 : i32
    %dma_start3A_508 = arith.constant 0 : i32
    %dma_start3A_509 = tpu.memref_slice %arg9[%dma_start3A_507, %dma_start3A_508] : memref<16x768xf32, #tpu.memory_space<vmem>> -> memref<16x768xf32, #tpu.memory_space<vmem>>
    %dma_start3A_510 = arith.constant 0 : i32
    %dma_start3A_511 = tpu.memref_slice %arg4[%add3A_506, %dma_start3A_510] : memref<8192x768xf32, #tpu.memory_space<hbm>> -> memref<16x768xf32, #tpu.memory_space<hbm>>
    %dma_start3A_512 = arith.constant 0 : i32
    %dma_start3A_513 = tpu.memref_slice %arg4[%add3A_506, %dma_start3A_512] : memref<8192x768xf32, #tpu.memory_space<hbm>> -> memref<16x768xf32, #tpu.memory_space<hbm>>
    %dma_start3A_514 = arith.constant 0 : i32
    %dma_start3A_515 = arith.constant 0 : i32
    %dma_start3A_516 = tpu.memref_slice %arg9[%dma_start3A_514, %dma_start3A_515] : memref<16x768xf32, #tpu.memory_space<vmem>> -> memref<16x768xf32, #tpu.memory_space<vmem>>
    tpu.enqueue_dma source(%dma_start3A_516 : memref<16x768xf32, #tpu.memory_space<vmem>>) target(%dma_start3A_513 : memref<16x768xf32, #tpu.memory_space<hbm>>) target_semaphore(%arg23 : memref<!tpu.dma_semaphore, #tpu.memory_space<semaphore_mem>>)
    %dma_wait3A_517 = arith.constant 0 : i32
    %dma_wait3A_518 = arith.constant 0 : i32
    %dma_wait3A_519 = tpu.memref_slice %arg13[%dma_wait3A_517, %dma_wait3A_518] : memref<16x768xf32, #tpu.memory_space<vmem>> -> memref<16x768xf32, #tpu.memory_space<vmem>>
    %dma_wait3A_520 = arith.constant 0 : i32
    %dma_wait3A_521 = tpu.memref_slice %arg4[%add3A_278, %dma_wait3A_520] : memref<8192x768xf32, #tpu.memory_space<hbm>> -> memref<16x768xf32, #tpu.memory_space<hbm>>
    %dma_wait3A_522 = arith.constant 0 : i32
    %dma_wait3A_523 = tpu.memref_slice %arg4[%add3A_278, %dma_wait3A_522] : memref<8192x768xf32, #tpu.memory_space<hbm>> -> memref<16x768xf32, #tpu.memory_space<hbm>>
    %dma_wait3A_524 = arith.constant 0 : i32
    %dma_wait3A_525 = arith.constant 0 : i32
    %dma_wait3A_526 = tpu.memref_slice %arg13[%dma_wait3A_524, %dma_wait3A_525] : memref<16x768xf32, #tpu.memory_space<vmem>> -> memref<16x768xf32, #tpu.memory_space<vmem>>
    tpu.wait_dma2 semaphore(%arg27 : memref<!tpu.dma_semaphore, #tpu.memory_space<semaphore_mem>>) src(%dma_wait3A_526 : memref<16x768xf32, #tpu.memory_space<vmem>>) dst(%dma_wait3A_523 : memref<16x768xf32, #tpu.memory_space<hbm>>)
    %dma_start3A_527 = arith.constant 0 : i32
    %dma_start3A_528 = arith.constant 0 : i32
    %dma_start3A_529 = tpu.memref_slice %arg13[%dma_start3A_527, %dma_start3A_528] : memref<16x768xf32, #tpu.memory_space<vmem>> -> memref<8x768xf32, #tpu.memory_space<vmem>>
    %dma_start3A_530 = arith.constant 248 : i32
    %dma_start3A_531 = tpu.memref_slice %arg5[%dma_start3A_530] : memref<256xi32, #tpu.memory_space<vmem>> -> memref<8xi32, #tpu.memory_space<vmem>>
    %dma_start3A_532 = arith.constant 0 : i32
    %dma_start3A_533 = arith.constant 0 : i32
    %dma_start3A_534 = tpu.memref_slice %arg2[%dma_start3A_532, %dma_start3A_533] : memref<100000x768xf32, #tpu.memory_space<hbm>> -> memref<100000x768xf32, #tpu.memory_space<hbm>>
    tpu.enqueue_indirect_dma source(%dma_start3A_534 : memref<100000x768xf32, #tpu.memory_space<hbm>>) target(%dma_start3A_529 : memref<8x768xf32, #tpu.memory_space<vmem>>) offsets(%dma_start3A_531 : memref<8xi32, #tpu.memory_space<vmem>>) semaphore(%arg17 : memref<!tpu.dma_semaphore, #tpu.memory_space<semaphore_mem>>)
    %dma_wait3A_535 = arith.constant 0 : i32
    %dma_wait3A_536 = arith.constant 0 : i32
    %dma_wait3A_537 = tpu.memref_slice %arg10[%dma_wait3A_535, %dma_wait3A_536] : memref<16x768xf32, #tpu.memory_space<vmem>> -> memref<16x768xf32, #tpu.memory_space<vmem>>
    %dma_wait3A_538 = arith.constant 208 : i32
    %dma_wait3A_539 = tpu.memref_slice %arg5[%dma_wait3A_538] : memref<256xi32, #tpu.memory_space<vmem>> -> memref<16xi32, #tpu.memory_space<vmem>>
    %dma_wait3A_540 = arith.constant 0 : i32
    %dma_wait3A_541 = arith.constant 0 : i32
    %dma_wait3A_542 = tpu.memref_slice %arg2[%dma_wait3A_540, %dma_wait3A_541] : memref<100000x768xf32, #tpu.memory_space<hbm>> -> memref<100000x768xf32, #tpu.memory_space<hbm>>
    tpu.wait_indirect_dma semaphore(%arg18 : memref<!tpu.dma_semaphore, #tpu.memory_space<semaphore_mem>>) src(%dma_wait3A_542 : memref<100000x768xf32, #tpu.memory_space<hbm>>) dst(%dma_wait3A_537 : memref<16x768xf32, #tpu.memory_space<vmem>>)
    %add3A_543 = arith.constant 208 : i32
    %add3A_544 = arith.addi %mul3A_2, %add3A_543 : i32
    %dma_start3A_545 = arith.constant 0 : i32
    %dma_start3A_546 = arith.constant 0 : i32
    %dma_start3A_547 = tpu.memref_slice %arg10[%dma_start3A_545, %dma_start3A_546] : memref<16x768xf32, #tpu.memory_space<vmem>> -> memref<16x768xf32, #tpu.memory_space<vmem>>
    %dma_start3A_548 = arith.constant 0 : i32
    %dma_start3A_549 = tpu.memref_slice %arg4[%add3A_544, %dma_start3A_548] : memref<8192x768xf32, #tpu.memory_space<hbm>> -> memref<16x768xf32, #tpu.memory_space<hbm>>
    %dma_start3A_550 = arith.constant 0 : i32
    %dma_start3A_551 = tpu.memref_slice %arg4[%add3A_544, %dma_start3A_550] : memref<8192x768xf32, #tpu.memory_space<hbm>> -> memref<16x768xf32, #tpu.memory_space<hbm>>
    %dma_start3A_552 = arith.constant 0 : i32
    %dma_start3A_553 = arith.constant 0 : i32
    %dma_start3A_554 = tpu.memref_slice %arg10[%dma_start3A_552, %dma_start3A_553] : memref<16x768xf32, #tpu.memory_space<vmem>> -> memref<16x768xf32, #tpu.memory_space<vmem>>
    tpu.enqueue_dma source(%dma_start3A_554 : memref<16x768xf32, #tpu.memory_space<vmem>>) target(%dma_start3A_551 : memref<16x768xf32, #tpu.memory_space<hbm>>) target_semaphore(%arg24 : memref<!tpu.dma_semaphore, #tpu.memory_space<semaphore_mem>>)
    %dma_wait3A_555 = arith.constant 0 : i32
    %dma_wait3A_556 = arith.constant 0 : i32
    %dma_wait3A_557 = tpu.memref_slice %arg11[%dma_wait3A_555, %dma_wait3A_556] : memref<16x768xf32, #tpu.memory_space<vmem>> -> memref<16x768xf32, #tpu.memory_space<vmem>>
    %dma_wait3A_558 = arith.constant 224 : i32
    %dma_wait3A_559 = tpu.memref_slice %arg5[%dma_wait3A_558] : memref<256xi32, #tpu.memory_space<vmem>> -> memref<16xi32, #tpu.memory_space<vmem>>
    %dma_wait3A_560 = arith.constant 0 : i32
    %dma_wait3A_561 = arith.constant 0 : i32
    %dma_wait3A_562 = tpu.memref_slice %arg2[%dma_wait3A_560, %dma_wait3A_561] : memref<100000x768xf32, #tpu.memory_space<hbm>> -> memref<100000x768xf32, #tpu.memory_space<hbm>>
    tpu.wait_indirect_dma semaphore(%arg19 : memref<!tpu.dma_semaphore, #tpu.memory_space<semaphore_mem>>) src(%dma_wait3A_562 : memref<100000x768xf32, #tpu.memory_space<hbm>>) dst(%dma_wait3A_557 : memref<16x768xf32, #tpu.memory_space<vmem>>)
    %add3A_563 = arith.constant 224 : i32
    %add3A_564 = arith.addi %mul3A_2, %add3A_563 : i32
    %dma_start3A_565 = arith.constant 0 : i32
    %dma_start3A_566 = arith.constant 0 : i32
    %dma_start3A_567 = tpu.memref_slice %arg11[%dma_start3A_565, %dma_start3A_566] : memref<16x768xf32, #tpu.memory_space<vmem>> -> memref<16x768xf32, #tpu.memory_space<vmem>>
    %dma_start3A_568 = arith.constant 0 : i32
    %dma_start3A_569 = tpu.memref_slice %arg4[%add3A_564, %dma_start3A_568] : memref<8192x768xf32, #tpu.memory_space<hbm>> -> memref<16x768xf32, #tpu.memory_space<hbm>>
    %dma_start3A_570 = arith.constant 0 : i32
    %dma_start3A_571 = tpu.memref_slice %arg4[%add3A_564, %dma_start3A_570] : memref<8192x768xf32, #tpu.memory_space<hbm>> -> memref<16x768xf32, #tpu.memory_space<hbm>>
    %dma_start3A_572 = arith.constant 0 : i32
    %dma_start3A_573 = arith.constant 0 : i32
    %dma_start3A_574 = tpu.memref_slice %arg11[%dma_start3A_572, %dma_start3A_573] : memref<16x768xf32, #tpu.memory_space<vmem>> -> memref<16x768xf32, #tpu.memory_space<vmem>>
    tpu.enqueue_dma source(%dma_start3A_574 : memref<16x768xf32, #tpu.memory_space<vmem>>) target(%dma_start3A_571 : memref<16x768xf32, #tpu.memory_space<hbm>>) target_semaphore(%arg25 : memref<!tpu.dma_semaphore, #tpu.memory_space<semaphore_mem>>)
    %dma_wait3A_575 = arith.constant 0 : i32
    %dma_wait3A_576 = arith.constant 0 : i32
    %dma_wait3A_577 = tpu.memref_slice %arg12[%dma_wait3A_575, %dma_wait3A_576] : memref<16x768xf32, #tpu.memory_space<vmem>> -> memref<8x768xf32, #tpu.memory_space<vmem>>
    %dma_wait3A_578 = arith.constant 240 : i32
    %dma_wait3A_579 = tpu.memref_slice %arg5[%dma_wait3A_578] : memref<256xi32, #tpu.memory_space<vmem>> -> memref<8xi32, #tpu.memory_space<vmem>>
    %dma_wait3A_580 = arith.constant 0 : i32
    %dma_wait3A_581 = arith.constant 0 : i32
    %dma_wait3A_582 = tpu.memref_slice %arg2[%dma_wait3A_580, %dma_wait3A_581] : memref<100000x768xf32, #tpu.memory_space<hbm>> -> memref<100000x768xf32, #tpu.memory_space<hbm>>
    tpu.wait_indirect_dma semaphore(%arg16 : memref<!tpu.dma_semaphore, #tpu.memory_space<semaphore_mem>>) src(%dma_wait3A_582 : memref<100000x768xf32, #tpu.memory_space<hbm>>) dst(%dma_wait3A_577 : memref<8x768xf32, #tpu.memory_space<vmem>>)
    %add3A_583 = arith.constant 240 : i32
    %add3A_584 = arith.addi %mul3A_2, %add3A_583 : i32
    %dma_start3A_585 = arith.constant 0 : i32
    %dma_start3A_586 = arith.constant 0 : i32
    %dma_start3A_587 = tpu.memref_slice %arg12[%dma_start3A_585, %dma_start3A_586] : memref<16x768xf32, #tpu.memory_space<vmem>> -> memref<8x768xf32, #tpu.memory_space<vmem>>
    %dma_start3A_588 = arith.constant 0 : i32
    %dma_start3A_589 = tpu.memref_slice %arg4[%add3A_584, %dma_start3A_588] : memref<8192x768xf32, #tpu.memory_space<hbm>> -> memref<8x768xf32, #tpu.memory_space<hbm>>
    %dma_start3A_590 = arith.constant 0 : i32
    %dma_start3A_591 = tpu.memref_slice %arg4[%add3A_584, %dma_start3A_590] : memref<8192x768xf32, #tpu.memory_space<hbm>> -> memref<8x768xf32, #tpu.memory_space<hbm>>
    %dma_start3A_592 = arith.constant 0 : i32
    %dma_start3A_593 = arith.constant 0 : i32
    %dma_start3A_594 = tpu.memref_slice %arg12[%dma_start3A_592, %dma_start3A_593] : memref<16x768xf32, #tpu.memory_space<vmem>> -> memref<8x768xf32, #tpu.memory_space<vmem>>
    tpu.enqueue_dma source(%dma_start3A_594 : memref<8x768xf32, #tpu.memory_space<vmem>>) target(%dma_start3A_591 : memref<8x768xf32, #tpu.memory_space<hbm>>) target_semaphore(%arg26 : memref<!tpu.dma_semaphore, #tpu.memory_space<semaphore_mem>>)
    %dma_wait3A_595 = arith.constant 0 : i32
    %dma_wait3A_596 = arith.constant 0 : i32
    %dma_wait3A_597 = tpu.memref_slice %arg13[%dma_wait3A_595, %dma_wait3A_596] : memref<16x768xf32, #tpu.memory_space<vmem>> -> memref<8x768xf32, #tpu.memory_space<vmem>>
    %dma_wait3A_598 = arith.constant 248 : i32
    %dma_wait3A_599 = tpu.memref_slice %arg5[%dma_wait3A_598] : memref<256xi32, #tpu.memory_space<vmem>> -> memref<8xi32, #tpu.memory_space<vmem>>
    %dma_wait3A_600 = arith.constant 0 : i32
    %dma_wait3A_601 = arith.constant 0 : i32
    %dma_wait3A_602 = tpu.memref_slice %arg2[%dma_wait3A_600, %dma_wait3A_601] : memref<100000x768xf32, #tpu.memory_space<hbm>> -> memref<100000x768xf32, #tpu.memory_space<hbm>>
    tpu.wait_indirect_dma semaphore(%arg17 : memref<!tpu.dma_semaphore, #tpu.memory_space<semaphore_mem>>) src(%dma_wait3A_602 : memref<100000x768xf32, #tpu.memory_space<hbm>>) dst(%dma_wait3A_597 : memref<8x768xf32, #tpu.memory_space<vmem>>)
    %add3A_603 = arith.constant 248 : i32
    %add3A_604 = arith.addi %mul3A_2, %add3A_603 : i32
    %dma_start3A_605 = arith.constant 0 : i32
    %dma_start3A_606 = arith.constant 0 : i32
    %dma_start3A_607 = tpu.memref_slice %arg13[%dma_start3A_605, %dma_start3A_606] : memref<16x768xf32, #tpu.memory_space<vmem>> -> memref<8x768xf32, #tpu.memory_space<vmem>>
    %dma_start3A_608 = arith.constant 0 : i32
    %dma_start3A_609 = tpu.memref_slice %arg4[%add3A_604, %dma_start3A_608] : memref<8192x768xf32, #tpu.memory_space<hbm>> -> memref<8x768xf32, #tpu.memory_space<hbm>>
    %dma_start3A_610 = arith.constant 0 : i32
    %dma_start3A_611 = tpu.memref_slice %arg4[%add3A_604, %dma_start3A_610] : memref<8192x768xf32, #tpu.memory_space<hbm>> -> memref<8x768xf32, #tpu.memory_space<hbm>>
    %dma_start3A_612 = arith.constant 0 : i32
    %dma_start3A_613 = arith.constant 0 : i32
    %dma_start3A_614 = tpu.memref_slice %arg13[%dma_start3A_612, %dma_start3A_613] : memref<16x768xf32, #tpu.memory_space<vmem>> -> memref<8x768xf32, #tpu.memory_space<vmem>>
    tpu.enqueue_dma source(%dma_start3A_614 : memref<8x768xf32, #tpu.memory_space<vmem>>) target(%dma_start3A_611 : memref<8x768xf32, #tpu.memory_space<hbm>>) target_semaphore(%arg27 : memref<!tpu.dma_semaphore, #tpu.memory_space<semaphore_mem>>)
    %dma_wait3A_615 = arith.constant 0 : i32
    %dma_wait3A_616 = arith.constant 0 : i32
    %dma_wait3A_617 = tpu.memref_slice %arg14[%dma_wait3A_615, %dma_wait3A_616] : memref<16x768xf32, #tpu.memory_space<vmem>> -> memref<16x768xf32, #tpu.memory_space<vmem>>
    %dma_wait3A_618 = arith.constant 0 : i32
    %dma_wait3A_619 = tpu.memref_slice %arg4[%add3A_316, %dma_wait3A_618] : memref<8192x768xf32, #tpu.memory_space<hbm>> -> memref<16x768xf32, #tpu.memory_space<hbm>>
    %dma_wait3A_620 = arith.constant 0 : i32
    %dma_wait3A_621 = tpu.memref_slice %arg4[%add3A_316, %dma_wait3A_620] : memref<8192x768xf32, #tpu.memory_space<hbm>> -> memref<16x768xf32, #tpu.memory_space<hbm>>
    %dma_wait3A_622 = arith.constant 0 : i32
    %dma_wait3A_623 = arith.constant 0 : i32
    %dma_wait3A_624 = tpu.memref_slice %arg14[%dma_wait3A_622, %dma_wait3A_623] : memref<16x768xf32, #tpu.memory_space<vmem>> -> memref<16x768xf32, #tpu.memory_space<vmem>>
    tpu.wait_dma2 semaphore(%arg28 : memref<!tpu.dma_semaphore, #tpu.memory_space<semaphore_mem>>) src(%dma_wait3A_624 : memref<16x768xf32, #tpu.memory_space<vmem>>) dst(%dma_wait3A_621 : memref<16x768xf32, #tpu.memory_space<hbm>>)
    %dma_wait3A_625 = arith.constant 0 : i32
    %dma_wait3A_626 = arith.constant 0 : i32
    %dma_wait3A_627 = tpu.memref_slice %arg15[%dma_wait3A_625, %dma_wait3A_626] : memref<16x768xf32, #tpu.memory_space<vmem>> -> memref<16x768xf32, #tpu.memory_space<vmem>>
    %dma_wait3A_628 = arith.constant 0 : i32
    %dma_wait3A_629 = tpu.memref_slice %arg4[%add3A_354, %dma_wait3A_628] : memref<8192x768xf32, #tpu.memory_space<hbm>> -> memref<16x768xf32, #tpu.memory_space<hbm>>
    %dma_wait3A_630 = arith.constant 0 : i32
    %dma_wait3A_631 = tpu.memref_slice %arg4[%add3A_354, %dma_wait3A_630] : memref<8192x768xf32, #tpu.memory_space<hbm>> -> memref<16x768xf32, #tpu.memory_space<hbm>>
    %dma_wait3A_632 = arith.constant 0 : i32
    %dma_wait3A_633 = arith.constant 0 : i32
    %dma_wait3A_634 = tpu.memref_slice %arg15[%dma_wait3A_632, %dma_wait3A_633] : memref<16x768xf32, #tpu.memory_space<vmem>> -> memref<16x768xf32, #tpu.memory_space<vmem>>
    tpu.wait_dma2 semaphore(%arg29 : memref<!tpu.dma_semaphore, #tpu.memory_space<semaphore_mem>>) src(%dma_wait3A_634 : memref<16x768xf32, #tpu.memory_space<vmem>>) dst(%dma_wait3A_631 : memref<16x768xf32, #tpu.memory_space<hbm>>)
    %dma_wait3A_635 = arith.constant 0 : i32
    %dma_wait3A_636 = arith.constant 0 : i32
    %dma_wait3A_637 = tpu.memref_slice %arg6[%dma_wait3A_635, %dma_wait3A_636] : memref<16x768xf32, #tpu.memory_space<vmem>> -> memref<16x768xf32, #tpu.memory_space<vmem>>
    %dma_wait3A_638 = arith.constant 0 : i32
    %dma_wait3A_639 = tpu.memref_slice %arg4[%add3A_392, %dma_wait3A_638] : memref<8192x768xf32, #tpu.memory_space<hbm>> -> memref<16x768xf32, #tpu.memory_space<hbm>>
    %dma_wait3A_640 = arith.constant 0 : i32
    %dma_wait3A_641 = tpu.memref_slice %arg4[%add3A_392, %dma_wait3A_640] : memref<8192x768xf32, #tpu.memory_space<hbm>> -> memref<16x768xf32, #tpu.memory_space<hbm>>
    %dma_wait3A_642 = arith.constant 0 : i32
    %dma_wait3A_643 = arith.constant 0 : i32
    %dma_wait3A_644 = tpu.memref_slice %arg6[%dma_wait3A_642, %dma_wait3A_643] : memref<16x768xf32, #tpu.memory_space<vmem>> -> memref<16x768xf32, #tpu.memory_space<vmem>>
    tpu.wait_dma2 semaphore(%arg20 : memref<!tpu.dma_semaphore, #tpu.memory_space<semaphore_mem>>) src(%dma_wait3A_644 : memref<16x768xf32, #tpu.memory_space<vmem>>) dst(%dma_wait3A_641 : memref<16x768xf32, #tpu.memory_space<hbm>>)
    %dma_wait3A_645 = arith.constant 0 : i32
    %dma_wait3A_646 = arith.constant 0 : i32
    %dma_wait3A_647 = tpu.memref_slice %arg7[%dma_wait3A_645, %dma_wait3A_646] : memref<16x768xf32, #tpu.memory_space<vmem>> -> memref<16x768xf32, #tpu.memory_space<vmem>>
    %dma_wait3A_648 = arith.constant 0 : i32
    %dma_wait3A_649 = tpu.memref_slice %arg4[%add3A_430, %dma_wait3A_648] : memref<8192x768xf32, #tpu.memory_space<hbm>> -> memref<16x768xf32, #tpu.memory_space<hbm>>
    %dma_wait3A_650 = arith.constant 0 : i32
    %dma_wait3A_651 = tpu.memref_slice %arg4[%add3A_430, %dma_wait3A_650] : memref<8192x768xf32, #tpu.memory_space<hbm>> -> memref<16x768xf32, #tpu.memory_space<hbm>>
    %dma_wait3A_652 = arith.constant 0 : i32
    %dma_wait3A_653 = arith.constant 0 : i32
    %dma_wait3A_654 = tpu.memref_slice %arg7[%dma_wait3A_652, %dma_wait3A_653] : memref<16x768xf32, #tpu.memory_space<vmem>> -> memref<16x768xf32, #tpu.memory_space<vmem>>
    tpu.wait_dma2 semaphore(%arg21 : memref<!tpu.dma_semaphore, #tpu.memory_space<semaphore_mem>>) src(%dma_wait3A_654 : memref<16x768xf32, #tpu.memory_space<vmem>>) dst(%dma_wait3A_651 : memref<16x768xf32, #tpu.memory_space<hbm>>)
    %dma_wait3A_655 = arith.constant 0 : i32
    %dma_wait3A_656 = arith.constant 0 : i32
    %dma_wait3A_657 = tpu.memref_slice %arg8[%dma_wait3A_655, %dma_wait3A_656] : memref<16x768xf32, #tpu.memory_space<vmem>> -> memref<16x768xf32, #tpu.memory_space<vmem>>
    %dma_wait3A_658 = arith.constant 0 : i32
    %dma_wait3A_659 = tpu.memref_slice %arg4[%add3A_468, %dma_wait3A_658] : memref<8192x768xf32, #tpu.memory_space<hbm>> -> memref<16x768xf32, #tpu.memory_space<hbm>>
    %dma_wait3A_660 = arith.constant 0 : i32
    %dma_wait3A_661 = tpu.memref_slice %arg4[%add3A_468, %dma_wait3A_660] : memref<8192x768xf32, #tpu.memory_space<hbm>> -> memref<16x768xf32, #tpu.memory_space<hbm>>
    %dma_wait3A_662 = arith.constant 0 : i32
    %dma_wait3A_663 = arith.constant 0 : i32
    %dma_wait3A_664 = tpu.memref_slice %arg8[%dma_wait3A_662, %dma_wait3A_663] : memref<16x768xf32, #tpu.memory_space<vmem>> -> memref<16x768xf32, #tpu.memory_space<vmem>>
    tpu.wait_dma2 semaphore(%arg22 : memref<!tpu.dma_semaphore, #tpu.memory_space<semaphore_mem>>) src(%dma_wait3A_664 : memref<16x768xf32, #tpu.memory_space<vmem>>) dst(%dma_wait3A_661 : memref<16x768xf32, #tpu.memory_space<hbm>>)
    %dma_wait3A_665 = arith.constant 0 : i32
    %dma_wait3A_666 = arith.constant 0 : i32
    %dma_wait3A_667 = tpu.memref_slice %arg9[%dma_wait3A_665, %dma_wait3A_666] : memref<16x768xf32, #tpu.memory_space<vmem>> -> memref<16x768xf32, #tpu.memory_space<vmem>>
    %dma_wait3A_668 = arith.constant 0 : i32
    %dma_wait3A_669 = tpu.memref_slice %arg4[%add3A_506, %dma_wait3A_668] : memref<8192x768xf32, #tpu.memory_space<hbm>> -> memref<16x768xf32, #tpu.memory_space<hbm>>
    %dma_wait3A_670 = arith.constant 0 : i32
    %dma_wait3A_671 = tpu.memref_slice %arg4[%add3A_506, %dma_wait3A_670] : memref<8192x768xf32, #tpu.memory_space<hbm>> -> memref<16x768xf32, #tpu.memory_space<hbm>>
    %dma_wait3A_672 = arith.constant 0 : i32
    %dma_wait3A_673 = arith.constant 0 : i32
    %dma_wait3A_674 = tpu.memref_slice %arg9[%dma_wait3A_672, %dma_wait3A_673] : memref<16x768xf32, #tpu.memory_space<vmem>> -> memref<16x768xf32, #tpu.memory_space<vmem>>
    tpu.wait_dma2 semaphore(%arg23 : memref<!tpu.dma_semaphore, #tpu.memory_space<semaphore_mem>>) src(%dma_wait3A_674 : memref<16x768xf32, #tpu.memory_space<vmem>>) dst(%dma_wait3A_671 : memref<16x768xf32, #tpu.memory_space<hbm>>)
    %dma_wait3A_675 = arith.constant 0 : i32
    %dma_wait3A_676 = arith.constant 0 : i32
    %dma_wait3A_677 = tpu.memref_slice %arg10[%dma_wait3A_675, %dma_wait3A_676] : memref<16x768xf32, #tpu.memory_space<vmem>> -> memref<16x768xf32, #tpu.memory_space<vmem>>
    %dma_wait3A_678 = arith.constant 0 : i32
    %dma_wait3A_679 = tpu.memref_slice %arg4[%add3A_544, %dma_wait3A_678] : memref<8192x768xf32, #tpu.memory_space<hbm>> -> memref<16x768xf32, #tpu.memory_space<hbm>>
    %dma_wait3A_680 = arith.constant 0 : i32
    %dma_wait3A_681 = tpu.memref_slice %arg4[%add3A_544, %dma_wait3A_680] : memref<8192x768xf32, #tpu.memory_space<hbm>> -> memref<16x768xf32, #tpu.memory_space<hbm>>
    %dma_wait3A_682 = arith.constant 0 : i32
    %dma_wait3A_683 = arith.constant 0 : i32
    %dma_wait3A_684 = tpu.memref_slice %arg10[%dma_wait3A_682, %dma_wait3A_683] : memref<16x768xf32, #tpu.memory_space<vmem>> -> memref<16x768xf32, #tpu.memory_space<vmem>>
    tpu.wait_dma2 semaphore(%arg24 : memref<!tpu.dma_semaphore, #tpu.memory_space<semaphore_mem>>) src(%dma_wait3A_684 : memref<16x768xf32, #tpu.memory_space<vmem>>) dst(%dma_wait3A_681 : memref<16x768xf32, #tpu.memory_space<hbm>>)
    %dma_wait3A_685 = arith.constant 0 : i32
    %dma_wait3A_686 = arith.constant 0 : i32
    %dma_wait3A_687 = tpu.memref_slice %arg11[%dma_wait3A_685, %dma_wait3A_686] : memref<16x768xf32, #tpu.memory_space<vmem>> -> memref<16x768xf32, #tpu.memory_space<vmem>>
    %dma_wait3A_688 = arith.constant 0 : i32
    %dma_wait3A_689 = tpu.memref_slice %arg4[%add3A_564, %dma_wait3A_688] : memref<8192x768xf32, #tpu.memory_space<hbm>> -> memref<16x768xf32, #tpu.memory_space<hbm>>
    %dma_wait3A_690 = arith.constant 0 : i32
    %dma_wait3A_691 = tpu.memref_slice %arg4[%add3A_564, %dma_wait3A_690] : memref<8192x768xf32, #tpu.memory_space<hbm>> -> memref<16x768xf32, #tpu.memory_space<hbm>>
    %dma_wait3A_692 = arith.constant 0 : i32
    %dma_wait3A_693 = arith.constant 0 : i32
    %dma_wait3A_694 = tpu.memref_slice %arg11[%dma_wait3A_692, %dma_wait3A_693] : memref<16x768xf32, #tpu.memory_space<vmem>> -> memref<16x768xf32, #tpu.memory_space<vmem>>
    tpu.wait_dma2 semaphore(%arg25 : memref<!tpu.dma_semaphore, #tpu.memory_space<semaphore_mem>>) src(%dma_wait3A_694 : memref<16x768xf32, #tpu.memory_space<vmem>>) dst(%dma_wait3A_691 : memref<16x768xf32, #tpu.memory_space<hbm>>)
    %dma_wait3A_695 = arith.constant 0 : i32
    %dma_wait3A_696 = arith.constant 0 : i32
    %dma_wait3A_697 = tpu.memref_slice %arg12[%dma_wait3A_695, %dma_wait3A_696] : memref<16x768xf32, #tpu.memory_space<vmem>> -> memref<8x768xf32, #tpu.memory_space<vmem>>
    %dma_wait3A_698 = arith.constant 0 : i32
    %dma_wait3A_699 = tpu.memref_slice %arg4[%add3A_584, %dma_wait3A_698] : memref<8192x768xf32, #tpu.memory_space<hbm>> -> memref<8x768xf32, #tpu.memory_space<hbm>>
    %dma_wait3A_700 = arith.constant 0 : i32
    %dma_wait3A_701 = tpu.memref_slice %arg4[%add3A_584, %dma_wait3A_700] : memref<8192x768xf32, #tpu.memory_space<hbm>> -> memref<8x768xf32, #tpu.memory_space<hbm>>
    %dma_wait3A_702 = arith.constant 0 : i32
    %dma_wait3A_703 = arith.constant 0 : i32
    %dma_wait3A_704 = tpu.memref_slice %arg12[%dma_wait3A_702, %dma_wait3A_703] : memref<16x768xf32, #tpu.memory_space<vmem>> -> memref<8x768xf32, #tpu.memory_space<vmem>>
    tpu.wait_dma2 semaphore(%arg26 : memref<!tpu.dma_semaphore, #tpu.memory_space<semaphore_mem>>) src(%dma_wait3A_704 : memref<8x768xf32, #tpu.memory_space<vmem>>) dst(%dma_wait3A_701 : memref<8x768xf32, #tpu.memory_space<hbm>>)
    %dma_wait3A_705 = arith.constant 0 : i32
    %dma_wait3A_706 = arith.constant 0 : i32
    %dma_wait3A_707 = tpu.memref_slice %arg13[%dma_wait3A_705, %dma_wait3A_706] : memref<16x768xf32, #tpu.memory_space<vmem>> -> memref<8x768xf32, #tpu.memory_space<vmem>>
    %dma_wait3A_708 = arith.constant 0 : i32
    %dma_wait3A_709 = tpu.memref_slice %arg4[%add3A_604, %dma_wait3A_708] : memref<8192x768xf32, #tpu.memory_space<hbm>> -> memref<8x768xf32, #tpu.memory_space<hbm>>
    %dma_wait3A_710 = arith.constant 0 : i32
    %dma_wait3A_711 = tpu.memref_slice %arg4[%add3A_604, %dma_wait3A_710] : memref<8192x768xf32, #tpu.memory_space<hbm>> -> memref<8x768xf32, #tpu.memory_space<hbm>>
    %dma_wait3A_712 = arith.constant 0 : i32
    %dma_wait3A_713 = arith.constant 0 : i32
    %dma_wait3A_714 = tpu.memref_slice %arg13[%dma_wait3A_712, %dma_wait3A_713] : memref<16x768xf32, #tpu.memory_space<vmem>> -> memref<8x768xf32, #tpu.memory_space<vmem>>
    tpu.wait_dma2 semaphore(%arg27 : memref<!tpu.dma_semaphore, #tpu.memory_space<semaphore_mem>>) src(%dma_wait3A_714 : memref<8x768xf32, #tpu.memory_space<vmem>>) dst(%dma_wait3A_711 : memref<8x768xf32, #tpu.memory_space<hbm>>)
    return
  }
}

</mosaic_0001>

<sc_bundles>
// kernel: kernel.3.cloned.1.call-start
scs
__scs_entry_jumppad:
0x0: {  	(pc) =	sbr.rel $0x88, $3  }
0x1: {  	(tag) =	ssettag $0x0;
	lr =	simm.s32 $0x1  }
0x2: {  	[smem:$0x3F9F] =	sst lr;
	_ =	strace $0xD0000000  }
0x3: {  	_ = 	snop  }
0x4: {  	_ = 	snop  }
0x5: {  	_ = 	snop  }
0x6: {  	_ = 	snop  }
0x7: {  	_ = 	snop  }
__scs_overlays_trampoline_lowered:
0x8: {  	[smem:$0x3FAE] =	sst s0  }
0x9: {  	[smem:$0x3FAF] =	sst s1  }
0xa: {  	[smem:$0x3FB0] =	sst s2  }
0xb: {  	[smem:$0x3FB1] =	sst s3  }
0xc: {  	[smem:$0x3FB2] =	sst s4  }
0xd: {  	[smem:$0x3FB3] =	sst s5  }
0xe: {  	[smem:$0x3FB4] =	sst s6  }
0xf: {  	[smem:$0x3FB5] =	sst s7  }
0x10: {  	[smem:$0x3FB6] =	sst s8  }
0x11: {  	[smem:$0x3FB7] =	sst s9;
	s0 =	simm.s32 @!p0 $0x0  }
0x12: {  	s1 =	sld [smem:$0x3F9D];
	s0 =	simm.s32 @p0 $0x1  }
0x13: {  	[smem:$0x3FB8] =	sst s0;
	s0 =	simm.s32 @!p1 $0x0  }
0x14: {  	s2 =	sld [smem:$0x3F9C];
	s0 =	simm.s32 @p1 $0x1  }
0x15: {  	[smem:$0x3FB9] =	sst s0;
	s0 =	simm.s32 @!p2 $0x0  }
0x16: {  	s3 =	sld [smem:$0x3FDB];
	s0 =	simm.s32 @p2 $0x1  }
0x17: {  	s4 =	simm.s32 $0x1BF5;
	[smem:$0x3FBB] =	sst s0  }
0x18: {  	s0 =	sld [smem:$0x3F9E];
	_ =	swait.ge [sflag:s4], $0x0  }
0x19: {  	s7 =	sld [smem:$0x3F9F]  }
0x1a: {  	s8 =	sadd.s32 $0xFFFFE003, lr  }
0x1b: {  	s9 =	sadd.s32 $0xFFFFFEF7, lr;
	s5 =	simm.s32 $0xFFFFFFFF;
	p2 =	slt.u32 s8, $0xFFFFF086  }
0x1c: {  	p1 =	slt.u32 s9, $0xF7A;
	s5 =	simm.s32 @!p2 $0x0  }
0x1d: {  	s5 =	simm.s32 @p1 $0x1;
	p0 =	seq.s32 s7, s2  }
0x1e: {  	s7 =	smul.u32 @!p0 $0xF7A, s2;
	p2 =	seq.s32 @!p0 s5, $0x0  }
0x1f: {  	s9 =	smul.u32 $0xF7A, s1;
	s8 =	simm.s32 @!p0 $0x1BF5;
	p2 =	por !p2, p0  }
0x20: {  	[sflag:s8] =	ssyncset.s32 @!p0 $0xFFFFF086;
	s6 =	sadd.s32 @!p0 s3, s7;
	s7 =	simm.s32 @!p0 $0x108  }
0x21: {  	s3 =	sadd.s32 s3, s9;
	s6 =	sadd.s32 @!p0 $0x88, s6;
	s7 =	simm.s32 @p2 $0x1082  }
0x22: {  	[simem:s7], [sflag:s8] =	dma.local @!p0 [hbm:s6], $0xF7A  }
0x23: {  	s9 =	sor.u32 $0xD0000000, s2;
	s6 =	simm.s32 $0x108;
	_ =	swait.ge @!p0 [sflag:s8], $0x0  }
0x24: {  	s3 =	sadd.s32 $0x88, s3;
	s6 =	simm.s32 @!p1 $0x1082;
	[sflag:s4] =	ssyncset.s32 $0xFFFFF086  }
0x25: {  	[simem:s6], [sflag:s4] =	dma.local [hbm:s3], $0xF7A  }
0x26: {  	[smem:$0x3F9F] =	sst s1;
	(tag) =	ssettag s2;
	_ =	strace s9  }
0x27: {  	s1 =	sld [smem:$0x3FAF]  }
0x28: {  	s2 =	sld [smem:$0x3FB0]  }
0x29: {  	s4 =	sld [smem:$0x3FB2]  }
0x2a: {  	p0 =	seq.s32 s5, $0x0;
	s5 =	sld [smem:$0x3FB3]  }
0x2b: {  	s6 =	sld [smem:$0x3FB4]  }
0x2c: {  	s7 =	sld [smem:$0x3FB5]  }
0x2d: {  	s3 =	simm.s32 $0x108;
	s8 =	sld [smem:$0x3FB6]  }
0x2e: {  	s3 =	simm.s32 @!p0 $0x1082;
	s9 =	sld [smem:$0x3FB7]  }
0x2f: {  	lr =	sadd.s32 s0, s3;
	s0 =	sld [smem:$0x3FAE]  }
0x30: {  	s3 =	sld [smem:$0x3FB1]  }
0x31: {  	[smem:$0x3FBA] =	sst s10  }
0x32: {  	s10 =	sld [smem:$0x3FB8];
	_ =	sdelay $0x3  }
0x33: {  	p0 =	seq.s32 s10, $0x1;
	s10 =	sld [smem:$0x3FBA];
	_ =	sdelay $0x3  }
0x34: {  	[smem:$0x3FBA] =	sst s10  }
0x35: {  	s10 =	sld [smem:$0x3FB9];
	_ =	sdelay $0x3  }
0x36: {  	p1 =	seq.s32 s10, $0x1;
	s10 =	sld [smem:$0x3FBA];
	_ =	sdelay $0x3  }
0x37: {  	[smem:$0x3FBA] =	sst s10  }
0x38: {  	s10 =	sld [smem:$0x3FBB]  }
0x39: {  	_ = 	snop;
	(pc) =	sbr.ind lr, $3  }
0x3a: {  	_ = 	snop  }
0x3b: {  	_ = 	snop  }
0x3c: {  	p2 =	seq.s32 s10, $0x1;
	s10 =	sld [smem:$0x3FBA]  }
0x3d: {  	_ =	shalt  }
0x3e: {  	_ =	shalt  }
0x3f: {  	_ =	shalt  }
0x40: {  	_ =	shalt  }
0x41: {  	_ =	shalt  }
0x42: {  	_ =	shalt  }
0x43: {  	_ =	shalt  }
0x44: {  	_ =	shalt  }
0x45: {  	_ =	shalt  }
0x46: {  	_ =	shalt  }
0x47: {  	_ =	shalt  }
0x48: {  	_ =	shalt  }
0x49: {  	_ =	shalt  }
0x4a: {  	_ =	shalt  }
0x4b: {  	_ =	shalt  }
0x4c: {  	_ =	shalt  }
0x4d: {  	_ =	shalt  }
0x4e: {  	_ =	shalt  }
0x4f: {  	_ =	shalt  }
0x50: {  	_ =	shalt  }
0x51: {  	_ =	shalt  }
0x52: {  	_ =	shalt  }
0x53: {  	_ =	shalt  }
0x54: {  	_ =	shalt  }
0x55: {  	_ =	shalt  }
0x56: {  	_ =	shalt  }
0x57: {  	_ =	shalt  }
0x58: {  	_ =	shalt  }
0x59: {  	_ =	shalt  }
0x5a: {  	_ =	shalt  }
0x5b: {  	_ =	shalt  }
0x5c: {  	_ =	shalt  }
0x5d: {  	_ =	shalt  }
0x5e: {  	_ =	shalt  }
0x5f: {  	_ =	shalt  }
0x60: {  	_ =	shalt  }
0x61: {  	_ =	shalt  }
0x62: {  	_ =	shalt  }
0x63: {  	_ =	shalt  }
0x64: {  	_ =	shalt  }
0x65: {  	_ =	shalt  }
0x66: {  	_ =	shalt  }
0x67: {  	_ =	shalt  }
0x68: {  	_ =	shalt  }
0x69: {  	_ =	shalt  }
0x6a: {  	_ =	shalt  }
0x6b: {  	_ =	shalt  }
0x6c: {  	_ =	shalt  }
0x6d: {  	_ =	shalt  }
0x6e: {  	_ =	shalt  }
0x6f: {  	_ =	shalt  }
0x70: {  	_ =	shalt  }
0x71: {  	_ =	shalt  }
0x72: {  	_ =	shalt  }
0x73: {  	_ =	shalt  }
0x74: {  	_ =	shalt  }
0x75: {  	_ =	shalt  }
0x76: {  	_ =	shalt  }
0x77: {  	_ =	shalt  }
0x78: {  	_ =	shalt  }
0x79: {  	_ =	shalt  }
0x7a: {  	_ =	shalt  }
0x7b: {  	_ =	shalt  }
0x7c: {  	_ =	shalt  }
0x7d: {  	_ =	shalt  }
0x7e: {  	_ =	shalt  }
0x7f: {  	_ =	shalt  }
0x80: {  	_ =	shalt  }
0x81: {  	_ =	shalt  }
0x82: {  	_ =	shalt  }
0x83: {  	_ =	shalt  }
0x84: {  	_ =	shalt  }
0x85: {  	_ =	shalt  }
0x86: {  	_ =	shalt  }
0x87: {  	_ =	shalt  }
.Lfunc_end0:
.L_simem_size_0:
called_computation_lowered:
.L_overlay_start_0:
0x88: {  	s2 =	sld [smem:$0x3FD9]  }
0x89: {  	s3 =	sld [smem:$0x3FFE];
	_ =	sdelay $0x1  }
0x8a: {  	s1 =	srdreg.scid  }
0x8b: {  	s0 =	sand.u32 $0x1, s1  }
0x8c: {  	s18 =	sshll.u32 s0, $0xA;
	s2 =	sadd.s32 s3, s2  }
0x8d: {  	s2 =	sadd.s32 s2, s18  }
0x8e: {  	[smem:$0x3FC6] =	sst s2  }
0x8f: {  	_ = 	snop  }
0x90: {  	s2 =	sld [smem:$0x3FC9]  }
0x91: {  	s19 =	sld [smem:$0x3FC8]  }
0x92: {  	s4 =	sld [smem:$0x3FD0];
	(tm) =	ssettm $0x1  }
0x93: {  	s5 =	sld [smem:$0x3FFB];
	_ =	sdelay $0x3  }
0x94: {  	_ =	strace s5  }
0x95: {  	s5 =	sld [smem:$0x3FFC];
	_ =	sdelay $0x3  }
0x96: {  	_ =	strace s5  }
0x97: {  	s5 =	sld [smem:$0x3FFD];
	_ =	sdelay $0x3  }
0x98: {  	_ =	strace s5  }
0x99: {  	_ =	strace $0x8FFFFFFF  }
0x9a: {  	s20 =	sld [smem:$0x3FDB];
	_ =	sdelay $0x1  }
0x9b: {  	s6 =	simm.s32 $_scs_section_size  }
0x9c: {  	s7 =	simm.s32 $_size__tile_overlayer_lowered;
	s8 =	simm.s32 $_tile_overlayer_lowered  }
0x9d: {  	s23 =	simm.s32 $0x1BFF;
	s22 =	sshll.u32 s8, $0x1;
	s5 =	sadd.s32 s6, s20  }
0x9e: {  	s9 =	simm.s32 $0x0;
	s21 =	sshll.u32 s7, $0x1;
	s7 =	sadd.s32 s22, s5  }
0x9f: {  	[timem:s9], [sflag:s23] =	dma.local [hbm:s7], s21  }
0xa0: {  	_ =	swait.ge [sflag:s23], s21  }
0xa1: {  	s6 =	ssub.s32 $0x0, s21;
	[sflag:s23] =	ssyncset.done $0x0  }
0xa2: {  	[sflag:s23] =	ssyncadd.s32 s6;
	_ =	sdelay $0x1  }
0xa3: {  	s24 =	simm.s32 $0x1B8B  }
0xa4: {  	_ =	swait.ge [sflag:s24], $0x1  }
0xa5: {  	[sflag:s24] =	ssyncset.done $0x0  }
0xa6: {  	s25 =	simm.s32 $0x1B8E;
	[sflag:s24] =	ssyncadd.s32 $0xFFFFFFFF  }
0xa7: {  	s26 =	simm.s32 $execute0_lowered;
	[smem:$0x3FD2] =	sst s25  }
0xa8: {  	s6 =	sshll.u32 s26, $0x1;
	_ =	strace $0x80000046;
	[dreg:$0x1] =	wrdreg $0xFFFFFFFF  }
0xa9: {  	s28 =	simm.s32 $_size_execute0_lowered;
	s5 =	sadd.s32 s5, s6;
	[dreg:$0x0] =	wrdreg $0x0  }
0xaa: {  	s6 =	sshll.u32 s28, $0x1;
	[dreg:$0x2] =	wrdreg s5  }
0xab: {  	[dreg:$0x3] =	wrdreg s6  }
0xac: {  	[dreg:$0x4] =	wrdreg $0xC0  }
0xad: {  	_ =	task [dreg:s9], $0x5FFFF  }
0xae: {  	[dreg:$0x1] =	wrdreg $0xFFFFFFFF  }
0xaf: {  	[dreg:$0x0] =	wrdreg $0x60  }
0xb0: {  	[dreg:$0x2] =	wrdreg s19  }
0xb1: {  	[dreg:$0x3] =	wrdreg s2  }
0xb2: {  	[dreg:$0x4] =	wrdreg s4  }
0xb3: {  	[dreg:$0x5] =	wrdreg $0x9  }
0xb4: {  	_ =	task.clear_ibuf [dreg:s9], $0x6FFFF;
	_ =	strace $0x90000046  }
0xb5: {  	s29 =	simm.s32 $0x9;
	_ =	strace $0x80000048  }
0xb6: {  	_ =	swait.ge [sflag:s29], $0x1  }
0xb7: {  	[sflag:s29] =	ssyncadd.s32 $0xFFFFFFFF  }
0xb8: {  	_ =	strace $0x90000048  }
0xb9: {  	_ =	sfence  }
0xba: {  	s30 =	sld [smem:$0x0];
	_ =	sdelay $0x2  }
0xbb: {  	s31 =	sshll.u32 s1, $0xD;
	s1 =	sshrl.u32 s1, $0x2  }
0xbc: {  	s3 =	sand.u32 $0x4000, s31;
	s1 =	sadd.s32 s1, s30  }
0xbd: {  	s0 =	sor.u32 s3, s0;
	s1 =	sshll.u32 s1, $0x11  }
0xbe: {  	s0 =	sor.u32 s1, s0  }
0xbf: {  	s0 =	sadd.s32 $0x8F2B, s0  }
0xc0: {  	[sflag:s0] =	ssyncadd.remote.s32 $0x1  }
0xc1: {  	_ =	sfence.sel $0xFFFF  }
0xc2: {  	[dreg:$0x0] =	wrdreg $0xFFFFFFFF;
	(pc) =	sbr.abs _section_cstart, $3  }
0xc3: {  	[dreg:$0x1] =	wrdreg $0xFFFFFFFF  }
0xc4: {  	_ =	task.clear_ibuf [dreg:s9], $0x2FFFF;
	_ =	strace $0x9FFFFFFF  }
0xc5: {  	(tm) =	ssettm $0x7FFFFFFF  }
tec
execute0_lowered:
.L_overlay_start_1:
0x0: {  	(tag) =	ssettag $0x1  }
0x1: {  	s0 =	srdreg.scid  }
0x2: {  	s6 =	stileid.u32;
	s0 =	sand.u32 $0x1, s0  }
0x3: {  	s1 =	rddreg [dreg:$0x0];
	s2 =	sshll.u32 s6, $0x9;
	s3 =	sshll.u32 s0, $0x8  }
0x4: {  	s4 =	rddreg [dreg:$0x1];
	s2 =	sor.u32 s3, s2  }
0x5: {  	s5 =	rddreg [dreg:$0x2];
	s6 =	sshll.u32 s6, $0x5;
	s3 =	sshll.u32 s2, $0x2  }
0x6: {  	s9 =	simm.s32 $0x14900;
	s6 =	sor.u32 s6, s3;
	s3 =	simm.s32 $0x0  }
0x7: {  	s10 =	simm.s32 $0x16900;
	s2 =	sshrl.u32 s2, $0x3;
	[smem:$0x7FF] =	sst s3  }
0x8: {  	s7 =	smul.u32 $0x300, s2;
	_ =	strace $0x80000047;
	[dreg:$0x1a] =	wrdreg s9  }
0x9: {  	s11 =	simm.s32 $0x17100;
	[dreg:$0x1b] =	wrdreg s10  }
0xa: {  	s6 =	sand.u32 $0x1D80, s6;
	s12 =	sadd.s32 s5, s7;
	[dreg:$0x1c] =	wrdreg s11  }
0xb: {  	s6 =	sshrl.u32 s6, $0x3;
	s7 =	simm.s32 $0x14100;
	[smem:$0x7EF] =	sst s12  }
0xc: {  	s4 =	sadd.s32 s4, s6;
	[dreg:$0x19] =	wrdreg s7  }
0xd: {  	s13 =	sadd.s32 $0x300, s12;
	[dreg:$0x4] =	wrdreg s4  }
0xe: {  	s14 =	sadd.s32 $0x600, s12;
	[dreg:$0x5] =	wrdreg s13  }
0xf: {  	s15 =	sadd.s32 $0xC00, s12;
	[dreg:$0x6] =	wrdreg s14  }
0x10: {  	s2 =	smul.u32 $0x1800, s2;
	s16 =	sadd.s32 $0x1200, s12;
	[dreg:$0x7] =	wrdreg s15  }
0x11: {  	s17 =	sadd.s32 $0x1800, s12;
	[dreg:$0x8] =	wrdreg s16  }
0x12: {  	s2 =	sshrl.u32 s2, $0x3;
	s18 =	sadd.s32 $0x1E00, s12;
	[dreg:$0x9] =	wrdreg s17  }
0x13: {  	s2 =	sadd.s32 s5, s2;
	s5 =	simm.s32 $0x200;
	[dreg:$0xa] =	wrdreg s18  }
0x14: {  	s6 =	simm.s32 $0x13900;
	[dreg:$0x17] =	wrdreg s5  }
0x15: {  	s12 =	simm.s32 $0x17900;
	[dreg:$0x18] =	wrdreg s6  }
0x16: {  	s19 =	sadd.s32 $0x2400, s2;
	[dreg:$0x1d] =	wrdreg s12  }
0x17: {  	s20 =	sadd.s32 $0x2A00, s2;
	[dreg:$0xb] =	wrdreg s19  }
0x18: {  	s21 =	sadd.s32 $0x3000, s2;
	[dreg:$0xc] =	wrdreg s20  }
0x19: {  	s22 =	sadd.s32 $0x3600, s2;
	[dreg:$0xd] =	wrdreg s21  }
0x1a: {  	s23 =	sadd.s32 $0x3C00, s2;
	[dreg:$0xe] =	wrdreg s22  }
0x1b: {  	s24 =	sadd.s32 $0x4200, s2;
	[dreg:$0xf] =	wrdreg s23  }
0x1c: {  	s25 =	sadd.s32 $0x4800, s2;
	[dreg:$0x10] =	wrdreg s24  }
0x1d: {  	s26 =	sadd.s32 $0x4E00, s2;
	[dreg:$0x11] =	wrdreg s25  }
0x1e: {  	s30 =	sadd.s32 $0x5400, s2;
	[dreg:$0x12] =	wrdreg s26  }
0x1f: {  	s31 =	sadd.s32 $0x5A00, s2;
	[dreg:$0x13] =	wrdreg s30  }
0x20: {  	s2 =	sadd.s32 $0x5D00, s2;
	[dreg:$0x14] =	wrdreg s31  }
0x21: {  	s28 =	simm.s32 $0x1;
	s4 =	simm.s32 $0x80;
	[dreg:$0x15] =	wrdreg s2  }
0x22: {  	s29 =	simm.s32 $0x18100;
	s13 =	simm.s32 $0x18900;
	[dreg:$0x16] =	wrdreg s4  }
0x23: {  	s0 =	ssub.s32 $0x2, s0;
	s14 =	simm.s32 $0x19100;
	[dreg:$0x1e] =	wrdreg s13  }
0x24: {  	s8 =	sshrl.u32 s0, $0x1;
	s15 =	simm.s32 $0x19900;
	[dreg:$0x1f] =	wrdreg s14  }
0x25: {  	s0 =	ssub.s32 s0, s8;
	s16 =	simm.s32 $0x1A100;
	[smem:$0x7F0] =	sst s15  }
0x26: {  	s11 =	simm.s32 $0x2;
	s17 =	simm.s32 $0x1A900;
	[smem:$0x7F1] =	sst s16  }
0x27: {  	s10 =	simm.s32 $0x6;
	s18 =	simm.s32 $0x1B900;
	[smem:$0x7F2] =	sst s17  }
0x28: {  	s9 =	simm.s32 $0xF100;
	[smem:$0x7F3] =	sst s18;
	s19 =	simm.s32 $0x1C100  }
0x29: {  	s7 =	smax.u32 s0, $0x1;
	s20 =	simm.s32 $0x1C900;
	[smem:$0x7F4] =	sst s19  }
0x2a: {  	s5 =	sadd.s32 $0x100, s1;
	s21 =	simm.s32 $0x1D100;
	[smem:$0x7F5] =	sst s20  }
0x2b: {  	s6 =	sadd.s32 $0x200, s1;
	s22 =	simm.s32 $0x1D900;
	[smem:$0x7F6] =	sst s21  }
0x2c: {  	s12 =	simm.s32 $0x100;
	s23 =	simm.s32 $0x1900;
	[smem:$0x7F7] =	sst s22  }
0x2d: {  	s24 =	simm.s32 $0x2100;
	s25 =	simm.s32 $0x2900;
	[smem:$0x7F8] =	sst s23  }
0x2e: {  	s26 =	simm.s32 $0x4900;
	s30 =	simm.s32 $0x5100;
	[smem:$0x7F9] =	sst s24  }
0x2f: {  	s31 =	simm.s32 $0x5900;
	s14 =	simm.s32 $0x7;
	[smem:$0x7FA] =	sst s25  }
0x30: {  	s16 =	simm.s32 $0x8;
	s17 =	simm.s32 $0x9;
	[smem:$0x7FB] =	sst s26  }
0x31: {  	s18 =	simm.s32 $0xA;
	s15 =	simm.s32 $0x3100;
	[smem:$0x7FC] =	sst s30  }
0x32: {  	v2 =	vlaneseq.u32;
	s4 =	simm.s32 $0xC100;
	s13 =	simm.s32 $0x12100;
	[smem:$0x7FD] =	sst s31  }
0x33: {  	vm0 =	vmmov $0xffff;
	v1 =	vshrl.u32 v2, $0x3;
	s20 =	simm.s32 $0x3;
	s24 =	simm.s32 $0x4;
	s23 =	simm.s32 $0x5  }
0x34: {  	v0 =	vand.u32 $0x7, v2;
	v2 =	vor.u32 $0x8, v2;
	v1 =	vmul.u32 $0x8, v1;
	s19 =	simm.s32 $0xB;
	s22 =	simm.s32 $0xC;
	s21 =	simm.s32 $0x6100  }
.LBB2_1:
0x35: {  	s30 =	rddreg [dreg:$0x4]  }
0x36: {  	s31 =	rddreg [dreg:$0x16]  }
0x37: {  	s2 =	rddreg [dreg:$0x17];
	s26 =	simm.s32 $0xF  }
0x38: {  	[tilespmem:s3], [sflag:$0xF] =	stream.strided.gather [hbm4b:s30+s31], $0x100, s2, s31, $0x38;
	[tilespmem:$0x1E100] =	vst v63  }
0x39: {  	_ =	swait.ge [sflag:s26], $0x100  }
0x3a: {  	[sflag:s26] =	ssyncset.done $0x0  }
0x3b: {  	[sflag:s26] =	ssyncadd.s32 $0xFFFFFF00  }
0x3c: {  	v3 =	vld.msk [tilespmem:$0x0], $0xff;
	_ =	sdelay $0x4  }
0x3d: {  	v4 =	vshrl.u32 v3, $0x3  }
0x3e: {  	v4 =	vmul.u32 $0x30, v4  }
0x3f: {  	v3 =	vand.u32 $0x7, v3  }
0x40: {  	v3 =	vor.u32 v3, v4  }
0x41: {  	v3 =	vperm.xlane v3, v0;
	_ =	sdelay $0x1  }
0x42: {  	v3 =	vadd.s32 v1, v3;
	_ =	sdelay $0x4  }
0x43: {  	[tilespmem:s12], [sflag:$0x1] =	stream.indirect_vreg.gather [hbm4b:s1+s3], $0x80, v3, vm0, $0xb8;
	[tilespmem:$0x1E100] =	vst v63  }
0x44: {  	s31 =	simm.s32 $0x900  }
0x45: {  	[tilespmem:s31], [sflag:$0x1] =	stream.indirect_vreg.gather [hbm4b:s5+s3], $0x80, v3, vm0, $0xb8;
	[tilespmem:$0x1E100] =	vst v63  }
0x46: {  	s8 =	simm.s32 $0x1100  }
0x47: {  	[tilespmem:s8], [sflag:$0x1] =	stream.indirect_vreg.gather [hbm4b:s6+s3], $0x80, v3, vm0, $0xb8;
	[tilespmem:$0x1E100] =	vst v63  }
0x48: {  	v3 =	vld.msk [tilespmem:$0x8], $0xff;
	_ =	sdelay $0x4  }
0x49: {  	v47 =	vshrl.u32 v3, $0x3  }
0x4a: {  	v4 =	vmul.u32 $0x30, v47  }
0x4b: {  	v3 =	vand.u32 $0x7, v3  }
0x4c: {  	v3 =	vor.u32 v3, v4  }
0x4d: {  	v3 =	vperm.xlane v3, v0;
	_ =	sdelay $0x1  }
0x4e: {  	v3 =	vadd.s32 v1, v3;
	_ =	sdelay $0x4  }
0x4f: {  	[tilespmem:s15], [sflag:$0x2] =	stream.indirect_vreg.gather [hbm4b:s1+s3], $0x80, v3, vm0, $0xb8;
	[tilespmem:$0x1E100] =	vst v63  }
0x50: {  	s0 =	simm.s32 $0x3900  }
0x51: {  	[tilespmem:s0], [sflag:$0x2] =	stream.indirect_vreg.gather [hbm4b:s5+s3], $0x80, v3, vm0, $0xb8;
	[tilespmem:$0x1E100] =	vst v63  }
0x52: {  	s30 =	simm.s32 $0x4100  }
0x53: {  	[tilespmem:s30], [sflag:$0x2] =	stream.indirect_vreg.gather [hbm4b:s6+s3], $0x80, v3, vm0, $0xb8;
	[tilespmem:$0x1E100] =	vst v63  }
0x54: {  	v3 =	vld [tilespmem:$0x10];
	_ =	sdelay $0x4  }
0x55: {  	v48 =	vshrl.u32 v3, $0x3  }
0x56: {  	v4 =	vmul.u32 $0x30, v48  }
0x57: {  	v3 =	vand.u32 $0x7, v3  }
0x58: {  	v3 =	vor.u32 v3, v4  }
0x59: {  	v4 =	vperm.xlane v3, v0;
	_ =	sdelay $0x1  }
0x5a: {  	v4 =	vadd.s32 v1, v4;
	_ =	sdelay $0x3  }
0x5b: {  	v3 =	vperm.xlane v3, v2  }
0x5c: {  	[tilespmem:s21], [sflag:$0x3] =	stream.indirect_vreg.gather [hbm4b:s1+s3], $0x80, v4, vm0, $0xb8;
	[tilespmem:$0x1E100] =	vst v63  }
0x5d: {  	s2 =	simm.s32 $0x6900;
	v3 =	vadd.s32 v1, v3  }
0x5e: {  	[tilespmem:s2], [sflag:$0x3] =	stream.indirect_vreg.gather [hbm4b:s5+s3], $0x80, v4, vm0, $0xb8;
	[tilespmem:$0x1E100] =	vst v63  }
0x5f: {  	s25 =	simm.s32 $0x7100  }
0x60: {  	[tilespmem:s25], [sflag:$0x3] =	stream.indirect_vreg.gather [hbm4b:s6+s3], $0x80, v4, vm0, $0xb8;
	[tilespmem:$0x1E100] =	vst v63  }
0x61: {  	s26 =	simm.s32 $0x7900  }
0x62: {  	[tilespmem:s26], [sflag:$0x3] =	stream.indirect_vreg.gather [hbm4b:s1+s3], $0x80, v3, vm0, $0xb8;
	[tilespmem:$0x1E100] =	vst v63  }
0x63: {  	s30 =	simm.s32 $0x8100  }
0x64: {  	[tilespmem:s30], [sflag:$0x3] =	stream.indirect_vreg.gather [hbm4b:s5+s3], $0x80, v3, vm0, $0xb8;
	[tilespmem:$0x1E100] =	vst v63  }
0x65: {  	s2 =	simm.s32 $0x8900  }
0x66: {  	[tilespmem:s2], [sflag:$0x3] =	stream.indirect_vreg.gather [hbm4b:s6+s3], $0x80, v3, vm0, $0xb8;
	[tilespmem:$0x1E100] =	vst v63  }
0x67: {  	v3 =	vld [tilespmem:$0x20];
	_ =	sdelay $0x4  }
0x68: {  	v49 =	vshrl.u32 v3, $0x3  }
0x69: {  	v4 =	vmul.u32 $0x30, v49  }
0x6a: {  	v3 =	vand.u32 $0x7, v3  }
0x6b: {  	v3 =	vor.u32 v3, v4  }
0x6c: {  	v4 =	vperm.xlane v3, v0;
	_ =	sdelay $0x1  }
0x6d: {  	v4 =	vadd.s32 v1, v4;
	_ =	sdelay $0x3  }
0x6e: {  	s0 =	simm.s32 $0x9100;
	v3 =	vperm.xlane v3, v2  }
0x6f: {  	[tilespmem:s0], [sflag:$0x4] =	stream.indirect_vreg.gather [hbm4b:s1+s3], $0x80, v4, vm0, $0xb8;
	[tilespmem:$0x1E100] =	vst v63  }
0x70: {  	s25 =	simm.s32 $0x9900;
	v3 =	vadd.s32 v1, v3  }
0x71: {  	[tilespmem:s25], [sflag:$0x4] =	stream.indirect_vreg.gather [hbm4b:s5+s3], $0x80, v4, vm0, $0xb8;
	[tilespmem:$0x1E100] =	vst v63  }
0x72: {  	s26 =	simm.s32 $0xA100  }
0x73: {  	[tilespmem:s26], [sflag:$0x4] =	stream.indirect_vreg.gather [hbm4b:s6+s3], $0x80, v4, vm0, $0xb8;
	[tilespmem:$0x1E100] =	vst v63  }
0x74: {  	s30 =	simm.s32 $0xA900  }
0x75: {  	[tilespmem:s30], [sflag:$0x4] =	stream.indirect_vreg.gather [hbm4b:s1+s3], $0x80, v3, vm0, $0xb8;
	[tilespmem:$0x1E100] =	vst v63  }
0x76: {  	s25 =	simm.s32 $0xB100  }
0x77: {  	[tilespmem:s25], [sflag:$0x4] =	stream.indirect_vreg.gather [hbm4b:s5+s3], $0x80, v3, vm0, $0xb8;
	[tilespmem:$0x1E100] =	vst v63  }
0x78: {  	s26 =	simm.s32 $0xB900  }
0x79: {  	[tilespmem:s26], [sflag:$0x4] =	stream.indirect_vreg.gather [hbm4b:s6+s3], $0x80, v3, vm0, $0xb8;
	[tilespmem:$0x1E100] =	vst v63  }
0x7a: {  	_ =	swait.ge [sflag:s28], $0x1800  }
0x7b: {  	s30 =	sld [smem:$0x7EF]  }
0x7c: {  	[sflag:s28] =	ssyncset.done $0x0  }
0x7d: {  	[sflag:s28] =	ssyncadd.s32 $0xFFFFE800  }
0x7e: {  	[hbm4b:s30+s3] =	stream.linear.scatter [tilespmem:s12], [sflag:$0x5], $0x1800, $0x38;
	[tilespmem:$0x1E100] =	vst v63  }
0x7f: {  	v3 =	vld [tilespmem:$0x30];
	_ =	sdelay $0x4  }
0x80: {  	v50 =	vshrl.u32 v3, $0x3  }
0x81: {  	v4 =	vmul.u32 $0x30, v50  }
0x82: {  	v3 =	vand.u32 $0x7, v3  }
0x83: {  	v3 =	vor.u32 v3, v4  }
0x84: {  	v4 =	vperm.xlane v3, v0;
	_ =	sdelay $0x1  }
0x85: {  	v4 =	vadd.s32 v1, v4;
	_ =	sdelay $0x3  }
0x86: {  	v3 =	vperm.xlane v3, v2  }
0x87: {  	[tilespmem:s4], [sflag:$0x1] =	stream.indirect_vreg.gather [hbm4b:s1+s3], $0x80, v4, vm0, $0xb8;
	[tilespmem:$0x1E100] =	vst v63  }
0x88: {  	s25 =	simm.s32 $0xC900;
	v3 =	vadd.s32 v1, v3  }
0x89: {  	[tilespmem:s25], [sflag:$0x1] =	stream.indirect_vreg.gather [hbm4b:s5+s3], $0x80, v4, vm0, $0xb8;
	[tilespmem:$0x1E100] =	vst v63  }
0x8a: {  	s26 =	simm.s32 $0xD100  }
0x8b: {  	[tilespmem:s26], [sflag:$0x1] =	stream.indirect_vreg.gather [hbm4b:s6+s3], $0x80, v4, vm0, $0xb8;
	[tilespmem:$0x1E100] =	vst v63  }
0x8c: {  	s30 =	simm.s32 $0xD900  }
0x8d: {  	[tilespmem:s30], [sflag:$0x1] =	stream.indirect_vreg.gather [hbm4b:s1+s3], $0x80, v3, vm0, $0xb8;
	[tilespmem:$0x1E100] =	vst v63  }
0x8e: {  	s25 =	simm.s32 $0xE100  }
0x8f: {  	[tilespmem:s25], [sflag:$0x1] =	stream.indirect_vreg.gather [hbm4b:s5+s3], $0x80, v3, vm0, $0xb8;
	[tilespmem:$0x1E100] =	vst v63  }
0x90: {  	s26 =	simm.s32 $0xE900  }
0x91: {  	[tilespmem:s26], [sflag:$0x1] =	stream.indirect_vreg.gather [hbm4b:s6+s3], $0x80, v3, vm0, $0xb8;
	[tilespmem:$0x1E100] =	vst v63  }
0x92: {  	_ =	swait.ge [sflag:s11], $0x1800  }
0x93: {  	[sflag:s11] =	ssyncset.done $0x0  }
0x94: {  	s30 =	rddreg [dreg:$0x5];
	[sflag:s11] =	ssyncadd.s32 $0xFFFFE800  }
0x95: {  	[hbm4b:s30+s3] =	stream.linear.scatter [tilespmem:s15], [sflag:$0x6], $0x1800, $0x38;
	[tilespmem:$0x1E100] =	vst v63  }
0x96: {  	v3 =	vld [tilespmem:$0x40];
	_ =	sdelay $0x4  }
0x97: {  	v51 =	vshrl.u32 v3, $0x3  }
0x98: {  	v4 =	vmul.u32 $0x30, v51  }
0x99: {  	v3 =	vand.u32 $0x7, v3  }
0x9a: {  	v3 =	vor.u32 v3, v4  }
0x9b: {  	v4 =	vperm.xlane v3, v0;
	_ =	sdelay $0x1  }
0x9c: {  	v4 =	vadd.s32 v1, v4;
	_ =	sdelay $0x3  }
0x9d: {  	v3 =	vperm.xlane v3, v2  }
0x9e: {  	[tilespmem:s9], [sflag:$0x2] =	stream.indirect_vreg.gather [hbm4b:s1+s3], $0x80, v4, vm0, $0xb8;
	[tilespmem:$0x1E100] =	vst v63  }
0x9f: {  	s25 =	simm.s32 $0xF900;
	v3 =	vadd.s32 v1, v3  }
0xa0: {  	[tilespmem:s25], [sflag:$0x2] =	stream.indirect_vreg.gather [hbm4b:s5+s3], $0x80, v4, vm0, $0xb8;
	[tilespmem:$0x1E100] =	vst v63  }
0xa1: {  	s26 =	simm.s32 $0x10100  }
0xa2: {  	[tilespmem:s26], [sflag:$0x2] =	stream.indirect_vreg.gather [hbm4b:s6+s3], $0x80, v4, vm0, $0xb8;
	[tilespmem:$0x1E100] =	vst v63  }
0xa3: {  	s30 =	simm.s32 $0x10900  }
0xa4: {  	[tilespmem:s30], [sflag:$0x2] =	stream.indirect_vreg.gather [hbm4b:s1+s3], $0x80, v3, vm0, $0xb8;
	[tilespmem:$0x1E100] =	vst v63  }
0xa5: {  	s25 =	simm.s32 $0x11100  }
0xa6: {  	[tilespmem:s25], [sflag:$0x2] =	stream.indirect_vreg.gather [hbm4b:s5+s3], $0x80, v3, vm0, $0xb8;
	[tilespmem:$0x1E100] =	vst v63  }
0xa7: {  	s26 =	simm.s32 $0x11900  }
0xa8: {  	[tilespmem:s26], [sflag:$0x2] =	stream.indirect_vreg.gather [hbm4b:s6+s3], $0x80, v3, vm0, $0xb8;
	[tilespmem:$0x1E100] =	vst v63  }
0xa9: {  	_ =	swait.ge [sflag:s20], $0x3000  }
0xaa: {  	[sflag:s20] =	ssyncset.done $0x0  }
0xab: {  	s30 =	rddreg [dreg:$0x6];
	[sflag:s20] =	ssyncadd.s32 $0xFFFFD000  }
0xac: {  	[hbm4b:s30+s3] =	stream.linear.scatter [tilespmem:s21], [sflag:$0x7], $0x3000, $0x38;
	[tilespmem:$0x1E100] =	vst v63  }
0xad: {  	v3 =	vld [tilespmem:$0x50];
	_ =	sdelay $0x4  }
0xae: {  	v52 =	vshrl.u32 v3, $0x3  }
0xaf: {  	v4 =	vmul.u32 $0x30, v52  }
0xb0: {  	v3 =	vand.u32 $0x7, v3  }
0xb1: {  	v3 =	vor.u32 v3, v4  }
0xb2: {  	v4 =	vperm.xlane v3, v0;
	_ =	sdelay $0x1  }
0xb3: {  	v4 =	vadd.s32 v1, v4;
	_ =	sdelay $0x3  }
0xb4: {  	v3 =	vperm.xlane v3, v2  }
0xb5: {  	[tilespmem:s13], [sflag:$0x3] =	stream.indirect_vreg.gather [hbm4b:s1+s3], $0x80, v4, vm0, $0xb8;
	[tilespmem:$0x1E100] =	vst v63  }
0xb6: {  	s25 =	simm.s32 $0x12900;
	v3 =	vadd.s32 v1, v3  }
0xb7: {  	[tilespmem:s25], [sflag:$0x3] =	stream.indirect_vreg.gather [hbm4b:s5+s3], $0x80, v4, vm0, $0xb8;
	[tilespmem:$0x1E100] =	vst v63  }
0xb8: {  	s25 =	simm.s32 $0x13100  }
0xb9: {  	[tilespmem:s25], [sflag:$0x3] =	stream.indirect_vreg.gather [hbm4b:s6+s3], $0x80, v4, vm0, $0xb8;
	[tilespmem:$0x1E100] =	vst v63  }
0xba: {  	s2 =	rddreg [dreg:$0x18]  }
0xbb: {  	[tilespmem:s2], [sflag:$0x3] =	stream.indirect_vreg.gather [hbm4b:s1+s3], $0x80, v3, vm0, $0xb8;
	[tilespmem:$0x1E100] =	vst v63  }
0xbc: {  	s26 =	rddreg [dreg:$0x19]  }
0xbd: {  	[tilespmem:s26], [sflag:$0x3] =	stream.indirect_vreg.gather [hbm4b:s5+s3], $0x80, v3, vm0, $0xb8;
	[tilespmem:$0x1E100] =	vst v63  }
0xbe: {  	s25 =	rddreg [dreg:$0x1a]  }
0xbf: {  	[tilespmem:s25], [sflag:$0x3] =	stream.indirect_vreg.gather [hbm4b:s6+s3], $0x80, v3, vm0, $0xb8;
	[tilespmem:$0x1E100] =	vst v63  }
0xc0: {  	_ =	swait.ge [sflag:s24], $0x3000  }
0xc1: {  	[sflag:s24] =	ssyncset.done $0x0  }
0xc2: {  	s26 =	rddreg [dreg:$0x7];
	[sflag:s24] =	ssyncadd.s32 $0xFFFFD000  }
0xc3: {  	[hbm4b:s26+s3] =	stream.linear.scatter [tilespmem:s0], [sflag:$0x8], $0x3000, $0x38;
	[tilespmem:$0x1E100] =	vst v63  }
0xc4: {  	v3 =	vld [tilespmem:$0x60];
	_ =	sdelay $0x4  }
0xc5: {  	v53 =	vshrl.u32 v3, $0x3  }
0xc6: {  	v4 =	vmul.u32 $0x30, v53  }
0xc7: {  	v3 =	vand.u32 $0x7, v3  }
0xc8: {  	v3 =	vor.u32 v3, v4  }
0xc9: {  	v4 =	vperm.xlane v3, v0;
	_ =	sdelay $0x1  }
0xca: {  	v4 =	vadd.s32 v1, v4;
	_ =	sdelay $0x3  }
0xcb: {  	s25 =	simm.s32 $0x15100;
	v3 =	vperm.xlane v3, v2  }
0xcc: {  	[tilespmem:s25], [sflag:$0x4] =	stream.indirect_vreg.gather [hbm4b:s1+s3], $0x80, v4, vm0, $0xb8;
	[tilespmem:$0x1E100] =	vst v63  }
0xcd: {  	s30 =	simm.s32 $0x15900;
	v3 =	vadd.s32 v1, v3  }
0xce: {  	[tilespmem:s30], [sflag:$0x4] =	stream.indirect_vreg.gather [hbm4b:s5+s3], $0x80, v4, vm0, $0xb8;
	[tilespmem:$0x1E100] =	vst v63  }
0xcf: {  	s26 =	simm.s32 $0x16100  }
0xd0: {  	[tilespmem:s26], [sflag:$0x4] =	stream.indirect_vreg.gather [hbm4b:s6+s3], $0x80, v4, vm0, $0xb8;
	[tilespmem:$0x1E100] =	vst v63  }
0xd1: {  	s2 =	rddreg [dreg:$0x1b]  }
0xd2: {  	[tilespmem:s2], [sflag:$0x4] =	stream.indirect_vreg.gather [hbm4b:s1+s3], $0x80, v3, vm0, $0xb8;
	[tilespmem:$0x1E100] =	vst v63  }
0xd3: {  	s30 =	rddreg [dreg:$0x1c]  }
0xd4: {  	[tilespmem:s30], [sflag:$0x4] =	stream.indirect_vreg.gather [hbm4b:s5+s3], $0x80, v3, vm0, $0xb8;
	[tilespmem:$0x1E100] =	vst v63  }
0xd5: {  	s26 =	rddreg [dreg:$0x1d]  }
0xd6: {  	[tilespmem:s26], [sflag:$0x4] =	stream.indirect_vreg.gather [hbm4b:s6+s3], $0x80, v3, vm0, $0xb8;
	[tilespmem:$0x1E100] =	vst v63  }
0xd7: {  	_ =	swait.ge [sflag:s28], $0x3000  }
0xd8: {  	[sflag:s28] =	ssyncset.done $0x0  }
0xd9: {  	s30 =	rddreg [dreg:$0x8];
	[sflag:s28] =	ssyncadd.s32 $0xFFFFD000  }
0xda: {  	[hbm4b:s30+s3] =	stream.linear.scatter [tilespmem:s4], [sflag:$0x9], $0x3000, $0x38;
	[tilespmem:$0x1E100] =	vst v63  }
0xdb: {  	v3 =	vld [tilespmem:$0x70];
	_ =	sdelay $0x4  }
0xdc: {  	v54 =	vshrl.u32 v3, $0x3  }
0xdd: {  	v4 =	vmul.u32 $0x30, v54  }
0xde: {  	v3 =	vand.u32 $0x7, v3  }
0xdf: {  	v3 =	vor.u32 v3, v4  }
0xe0: {  	v4 =	vperm.xlane v3, v0;
	_ =	sdelay $0x1  }
0xe1: {  	v4 =	vadd.s32 v1, v4;
	_ =	sdelay $0x3  }
0xe2: {  	s26 =	rddreg [dreg:$0x1e];
	v3 =	vperm.xlane v3, v2  }
0xe3: {  	[tilespmem:s29], [sflag:$0x1] =	stream.indirect_vreg.gather [hbm4b:s1+s3], $0x80, v4, vm0, $0xb8;
	[tilespmem:$0x1E100] =	vst v63  }
0xe4: {  	s30 =	rddreg [dreg:$0x1f];
	v3 =	vadd.s32 v1, v3  }
0xe5: {  	[tilespmem:s26], [sflag:$0x1] =	stream.indirect_vreg.gather [hbm4b:s5+s3], $0x80, v4, vm0, $0xb8;
	[tilespmem:$0x1E100] =	vst v63  }
0xe6: {  	s26 =	sld [smem:$0x7F0]  }
0xe7: {  	[tilespmem:s30], [sflag:$0x1] =	stream.indirect_vreg.gather [hbm4b:s6+s3], $0x80, v4, vm0, $0xb8;
	[tilespmem:$0x1E100] =	vst v63  }
0xe8: {  	s30 =	sld [smem:$0x7F1]  }
0xe9: {  	[tilespmem:s26], [sflag:$0x1] =	stream.indirect_vreg.gather [hbm4b:s1+s3], $0x80, v3, vm0, $0xb8;
	[tilespmem:$0x1E100] =	vst v63  }
0xea: {  	s26 =	sld [smem:$0x7F2]  }
0xeb: {  	[tilespmem:s30], [sflag:$0x1] =	stream.indirect_vreg.gather [hbm4b:s5+s3], $0x80, v3, vm0, $0xb8;
	[tilespmem:$0x1E100] =	vst v63  }
0xec: {  	_ = 	snop  }
0xed: {  	[tilespmem:s26], [sflag:$0x1] =	stream.indirect_vreg.gather [hbm4b:s6+s3], $0x80, v3, vm0, $0xb8;
	[tilespmem:$0x1E100] =	vst v63  }
0xee: {  	_ =	swait.ge [sflag:s11], $0x3000  }
0xef: {  	[sflag:s11] =	ssyncset.done $0x0  }
0xf0: {  	s26 =	rddreg [dreg:$0x9];
	[sflag:s11] =	ssyncadd.s32 $0xFFFFD000  }
0xf1: {  	[hbm4b:s26+s3] =	stream.linear.scatter [tilespmem:s9], [sflag:$0xA], $0x3000, $0x38;
	[tilespmem:$0x1E100] =	vst v63  }
0xf2: {  	v3 =	vld [tilespmem:$0x80];
	_ =	sdelay $0x4  }
0xf3: {  	v55 =	vshrl.u32 v3, $0x3  }
0xf4: {  	v4 =	vmul.u32 $0x30, v55  }
0xf5: {  	v3 =	vand.u32 $0x7, v3  }
0xf6: {  	v3 =	vor.u32 v3, v4  }
0xf7: {  	v4 =	vperm.xlane v3, v0;
	_ =	sdelay $0x1  }
0xf8: {  	v4 =	vadd.s32 v1, v4;
	_ =	sdelay $0x3  }
0xf9: {  	s2 =	sld [smem:$0x7F3];
	s26 =	simm.s32 $0x1B100;
	v3 =	vperm.xlane v3, v2  }
0xfa: {  	[tilespmem:s26], [sflag:$0x2] =	stream.indirect_vreg.gather [hbm4b:s1+s3], $0x80, v4, vm0, $0xb8;
	[tilespmem:$0x1E100] =	vst v63  }
0xfb: {  	s30 =	sld [smem:$0x7F4];
	v3 =	vadd.s32 v1, v3  }
0xfc: {  	[tilespmem:s2], [sflag:$0x2] =	stream.indirect_vreg.gather [hbm4b:s5+s3], $0x80, v4, vm0, $0xb8;
	[tilespmem:$0x1E100] =	vst v63  }
0xfd: {  	s2 =	sld [smem:$0x7F5]  }
0xfe: {  	[tilespmem:s30], [sflag:$0x2] =	stream.indirect_vreg.gather [hbm4b:s6+s3], $0x80, v4, vm0, $0xb8;
	[tilespmem:$0x1E100] =	vst v63  }
0xff: {  	s30 =	sld [smem:$0x7F6]  }
0x100: {  	[tilespmem:s2], [sflag:$0x2] =	stream.indirect_vreg.gather [hbm4b:s1+s3], $0x80, v3, vm0, $0xb8;
	[tilespmem:$0x1E100] =	vst v63  }
0x101: {  	s2 =	sld [smem:$0x7F7]  }
0x102: {  	[tilespmem:s30], [sflag:$0x2] =	stream.indirect_vreg.gather [hbm4b:s5+s3], $0x80, v3, vm0, $0xb8;
	[tilespmem:$0x1E100] =	vst v63  }
0x103: {  	_ = 	snop  }
0x104: {  	[tilespmem:s2], [sflag:$0x2] =	stream.indirect_vreg.gather [hbm4b:s6+s3], $0x80, v3, vm0, $0xb8;
	[tilespmem:$0x1E100] =	vst v63  }
0x105: {  	_ =	swait.ge [sflag:s20], $0x3000  }
0x106: {  	[sflag:s20] =	ssyncset.done $0x0  }
0x107: {  	s30 =	rddreg [dreg:$0xa];
	[sflag:s20] =	ssyncadd.s32 $0xFFFFD000  }
0x108: {  	[hbm4b:s30+s3] =	stream.linear.scatter [tilespmem:s13], [sflag:$0xB], $0x3000, $0x38;
	[tilespmem:$0x1E100] =	vst v63  }
0x109: {  	_ =	swait.ge [sflag:s23], $0x1800  }
0x10a: {  	[sflag:s23] =	ssyncset.done $0x0  }
0x10b: {  	[sflag:s23] =	ssyncadd.s32 $0xFFFFE800  }
0x10c: {  	v3 =	vld [tilespmem:$0x90];
	_ =	sdelay $0x4  }
0x10d: {  	v56 =	vshrl.u32 v3, $0x3  }
0x10e: {  	v4 =	vmul.u32 $0x30, v56  }
0x10f: {  	v3 =	vand.u32 $0x7, v3  }
0x110: {  	v3 =	vor.u32 v3, v4  }
0x111: {  	v4 =	vperm.xlane v3, v0;
	_ =	sdelay $0x1  }
0x112: {  	v4 =	vadd.s32 v1, v4;
	_ =	sdelay $0x3  }
0x113: {  	v3 =	vperm.xlane v3, v2  }
0x114: {  	[tilespmem:s12], [sflag:$0x3] =	stream.indirect_vreg.gather [hbm4b:s1+s3], $0x80, v4, vm0, $0xb8;
	[tilespmem:$0x1E100] =	vst v63  }
0x115: {  	v3 =	vadd.s32 v1, v3  }
0x116: {  	[tilespmem:s31], [sflag:$0x3] =	stream.indirect_vreg.gather [hbm4b:s5+s3], $0x80, v4, vm0, $0xb8;
	[tilespmem:$0x1E100] =	vst v63  }
0x117: {  	s2 =	sld [smem:$0x7F8]  }
0x118: {  	[tilespmem:s8], [sflag:$0x3] =	stream.indirect_vreg.gather [hbm4b:s6+s3], $0x80, v4, vm0, $0xb8;
	[tilespmem:$0x1E100] =	vst v63  }
0x119: {  	s31 =	sld [smem:$0x7F9]  }
0x11a: {  	[tilespmem:s2], [sflag:$0x3] =	stream.indirect_vreg.gather [hbm4b:s1+s3], $0x80, v3, vm0, $0xb8;
	[tilespmem:$0x1E100] =	vst v63  }
0x11b: {  	s8 =	sld [smem:$0x7FA]  }
0x11c: {  	[tilespmem:s31], [sflag:$0x3] =	stream.indirect_vreg.gather [hbm4b:s5+s3], $0x80, v3, vm0, $0xb8;
	[tilespmem:$0x1E100] =	vst v63  }
0x11d: {  	_ = 	snop  }
0x11e: {  	[tilespmem:s8], [sflag:$0x3] =	stream.indirect_vreg.gather [hbm4b:s6+s3], $0x80, v3, vm0, $0xb8;
	[tilespmem:$0x1E100] =	vst v63  }
0x11f: {  	_ =	swait.ge [sflag:s24], $0x3000  }
0x120: {  	[sflag:s24] =	ssyncset.done $0x0  }
0x121: {  	s31 =	rddreg [dreg:$0xb];
	[sflag:s24] =	ssyncadd.s32 $0xFFFFD000  }
0x122: {  	[hbm4b:s31+s3] =	stream.linear.scatter [tilespmem:s25], [sflag:$0xC], $0x3000, $0x38;
	[tilespmem:$0x1E100] =	vst v63  }
0x123: {  	_ =	swait.ge [sflag:s10], $0x1800  }
0x124: {  	[sflag:s10] =	ssyncset.done $0x0  }
0x125: {  	[sflag:s10] =	ssyncadd.s32 $0xFFFFE800  }
0x126: {  	v3 =	vld [tilespmem:$0xA0];
	_ =	sdelay $0x4  }
0x127: {  	v57 =	vshrl.u32 v3, $0x3  }
0x128: {  	v4 =	vmul.u32 $0x30, v57  }
0x129: {  	v3 =	vand.u32 $0x7, v3  }
0x12a: {  	v3 =	vor.u32 v3, v4  }
0x12b: {  	v4 =	vperm.xlane v3, v0;
	_ =	sdelay $0x1  }
0x12c: {  	v4 =	vadd.s32 v1, v4;
	_ =	sdelay $0x3  }
0x12d: {  	v3 =	vperm.xlane v3, v2  }
0x12e: {  	[tilespmem:s15], [sflag:$0x4] =	stream.indirect_vreg.gather [hbm4b:s1+s3], $0x80, v4, vm0, $0xb8;
	[tilespmem:$0x1E100] =	vst v63  }
0x12f: {  	s8 =	simm.s32 $0x3900;
	v3 =	vadd.s32 v1, v3  }
0x130: {  	[tilespmem:s8], [sflag:$0x4] =	stream.indirect_vreg.gather [hbm4b:s5+s3], $0x80, v4, vm0, $0xb8;
	[tilespmem:$0x1E100] =	vst v63  }
0x131: {  	s30 =	simm.s32 $0x4100;
	s2 =	sld [smem:$0x7FB]  }
0x132: {  	[tilespmem:s30], [sflag:$0x4] =	stream.indirect_vreg.gather [hbm4b:s6+s3], $0x80, v4, vm0, $0xb8;
	[tilespmem:$0x1E100] =	vst v63  }
0x133: {  	s31 =	sld [smem:$0x7FC]  }
0x134: {  	[tilespmem:s2], [sflag:$0x4] =	stream.indirect_vreg.gather [hbm4b:s1+s3], $0x80, v3, vm0, $0xb8;
	[tilespmem:$0x1E100] =	vst v63  }
0x135: {  	s8 =	sld [smem:$0x7FD]  }
0x136: {  	[tilespmem:s31], [sflag:$0x4] =	stream.indirect_vreg.gather [hbm4b:s5+s3], $0x80, v3, vm0, $0xb8;
	[tilespmem:$0x1E100] =	vst v63  }
0x137: {  	_ = 	snop  }
0x138: {  	[tilespmem:s8], [sflag:$0x4] =	stream.indirect_vreg.gather [hbm4b:s6+s3], $0x80, v3, vm0, $0xb8;
	[tilespmem:$0x1E100] =	vst v63  }
0x139: {  	_ =	swait.ge [sflag:s28], $0x3000  }
0x13a: {  	[sflag:s28] =	ssyncset.done $0x0  }
0x13b: {  	s31 =	rddreg [dreg:$0xc];
	[sflag:s28] =	ssyncadd.s32 $0xFFFFD000  }
0x13c: {  	[hbm4b:s31+s3] =	stream.linear.scatter [tilespmem:s29], [sflag:$0xD], $0x3000, $0x38;
	[tilespmem:$0x1E100] =	vst v63  }
0x13d: {  	_ =	swait.ge [sflag:s14], $0x3000  }
0x13e: {  	[sflag:s14] =	ssyncset.done $0x0  }
0x13f: {  	[sflag:s14] =	ssyncadd.s32 $0xFFFFD000  }
0x140: {  	v3 =	vld [tilespmem:$0xB0];
	_ =	sdelay $0x4  }
0x141: {  	v58 =	vshrl.u32 v3, $0x3  }
0x142: {  	v4 =	vmul.u32 $0x30, v58  }
0x143: {  	v3 =	vand.u32 $0x7, v3  }
0x144: {  	v3 =	vor.u32 v3, v4  }
0x145: {  	v4 =	vperm.xlane v3, v0;
	_ =	sdelay $0x1  }
0x146: {  	v4 =	vadd.s32 v1, v4;
	_ =	sdelay $0x3  }
0x147: {  	v3 =	vperm.xlane v3, v2  }
0x148: {  	[tilespmem:s21], [sflag:$0x1] =	stream.indirect_vreg.gather [hbm4b:s1+s3], $0x80, v4, vm0, $0xb8;
	[tilespmem:$0x1E100] =	vst v63  }
0x149: {  	s8 =	simm.s32 $0x6900;
	v3 =	vadd.s32 v1, v3  }
0x14a: {  	[tilespmem:s8], [sflag:$0x1] =	stream.indirect_vreg.gather [hbm4b:s5+s3], $0x80, v4, vm0, $0xb8;
	[tilespmem:$0x1E100] =	vst v63  }
0x14b: {  	s30 =	simm.s32 $0x7100  }
0x14c: {  	[tilespmem:s30], [sflag:$0x1] =	stream.indirect_vreg.gather [hbm4b:s6+s3], $0x80, v4, vm0, $0xb8;
	[tilespmem:$0x1E100] =	vst v63  }
0x14d: {  	s31 =	simm.s32 $0x7900  }
0x14e: {  	[tilespmem:s31], [sflag:$0x1] =	stream.indirect_vreg.gather [hbm4b:s1+s3], $0x80, v3, vm0, $0xb8;
	[tilespmem:$0x1E100] =	vst v63  }
0x14f: {  	s8 =	simm.s32 $0x8100  }
0x150: {  	[tilespmem:s8], [sflag:$0x1] =	stream.indirect_vreg.gather [hbm4b:s5+s3], $0x80, v3, vm0, $0xb8;
	[tilespmem:$0x1E100] =	vst v63  }
0x151: {  	s30 =	simm.s32 $0x8900  }
0x152: {  	[tilespmem:s30], [sflag:$0x1] =	stream.indirect_vreg.gather [hbm4b:s6+s3], $0x80, v3, vm0, $0xb8;
	[tilespmem:$0x1E100] =	vst v63  }
0x153: {  	_ =	swait.ge [sflag:s11], $0x3000  }
0x154: {  	[sflag:s11] =	ssyncset.done $0x0  }
0x155: {  	s31 =	rddreg [dreg:$0xd];
	[sflag:s11] =	ssyncadd.s32 $0xFFFFD000  }
0x156: {  	[hbm4b:s31+s3] =	stream.linear.scatter [tilespmem:s26], [sflag:$0xE], $0x3000, $0x38;
	[tilespmem:$0x1E100] =	vst v63  }
0x157: {  	_ =	swait.ge [sflag:s16], $0x3000  }
0x158: {  	[sflag:s16] =	ssyncset.done $0x0  }
0x159: {  	[sflag:s16] =	ssyncadd.s32 $0xFFFFD000  }
0x15a: {  	v3 =	vld [tilespmem:$0xC0];
	_ =	sdelay $0x4  }
0x15b: {  	v59 =	vshrl.u32 v3, $0x3  }
0x15c: {  	v4 =	vmul.u32 $0x30, v59  }
0x15d: {  	v3 =	vand.u32 $0x7, v3  }
0x15e: {  	v3 =	vor.u32 v3, v4  }
0x15f: {  	v4 =	vperm.xlane v3, v0;
	_ =	sdelay $0x1  }
0x160: {  	v4 =	vadd.s32 v1, v4;
	_ =	sdelay $0x3  }
0x161: {  	v3 =	vperm.xlane v3, v2  }
0x162: {  	[tilespmem:s0], [sflag:$0x2] =	stream.indirect_vreg.gather [hbm4b:s1+s3], $0x80, v4, vm0, $0xb8;
	[tilespmem:$0x1E100] =	vst v63  }
0x163: {  	s8 =	simm.s32 $0x9900;
	v3 =	vadd.s32 v1, v3  }
0x164: {  	[tilespmem:s8], [sflag:$0x2] =	stream.indirect_vreg.gather [hbm4b:s5+s3], $0x80, v4, vm0, $0xb8;
	[tilespmem:$0x1E100] =	vst v63  }
0x165: {  	s26 =	simm.s32 $0xA100  }
0x166: {  	[tilespmem:s26], [sflag:$0x2] =	stream.indirect_vreg.gather [hbm4b:s6+s3], $0x80, v4, vm0, $0xb8;
	[tilespmem:$0x1E100] =	vst v63  }
0x167: {  	s30 =	simm.s32 $0xA900  }
0x168: {  	[tilespmem:s30], [sflag:$0x2] =	stream.indirect_vreg.gather [hbm4b:s1+s3], $0x80, v3, vm0, $0xb8;
	[tilespmem:$0x1E100] =	vst v63  }
0x169: {  	s31 =	simm.s32 $0xB100  }
0x16a: {  	[tilespmem:s31], [sflag:$0x2] =	stream.indirect_vreg.gather [hbm4b:s5+s3], $0x80, v3, vm0, $0xb8;
	[tilespmem:$0x1E100] =	vst v63  }
0x16b: {  	s8 =	simm.s32 $0xB900  }
0x16c: {  	[tilespmem:s8], [sflag:$0x2] =	stream.indirect_vreg.gather [hbm4b:s6+s3], $0x80, v3, vm0, $0xb8;
	[tilespmem:$0x1E100] =	vst v63  }
0x16d: {  	_ =	swait.ge [sflag:s20], $0x3000  }
0x16e: {  	[sflag:s20] =	ssyncset.done $0x0  }
0x16f: {  	s26 =	rddreg [dreg:$0xe];
	[sflag:s20] =	ssyncadd.s32 $0xFFFFD000  }
0x170: {  	[hbm4b:s26+s3] =	stream.linear.scatter [tilespmem:s12], [sflag:$0x5], $0x3000, $0x38;
	[tilespmem:$0x1E100] =	vst v63  }
0x171: {  	_ =	swait.ge [sflag:s17], $0x3000  }
0x172: {  	[sflag:s17] =	ssyncset.done $0x0  }
0x173: {  	[sflag:s17] =	ssyncadd.s32 $0xFFFFD000  }
0x174: {  	v3 =	vld [tilespmem:$0xD0];
	_ =	sdelay $0x4  }
0x175: {  	v60 =	vshrl.u32 v3, $0x3  }
0x176: {  	v4 =	vmul.u32 $0x30, v60  }
0x177: {  	v3 =	vand.u32 $0x7, v3  }
0x178: {  	v3 =	vor.u32 v3, v4  }
0x179: {  	v4 =	vperm.xlane v3, v0;
	_ =	sdelay $0x1  }
0x17a: {  	v4 =	vadd.s32 v1, v4;
	_ =	sdelay $0x3  }
0x17b: {  	v3 =	vperm.xlane v3, v2  }
0x17c: {  	[tilespmem:s4], [sflag:$0x3] =	stream.indirect_vreg.gather [hbm4b:s1+s3], $0x80, v4, vm0, $0xb8;
	[tilespmem:$0x1E100] =	vst v63  }
0x17d: {  	s30 =	simm.s32 $0xC900;
	v3 =	vadd.s32 v1, v3  }
0x17e: {  	[tilespmem:s30], [sflag:$0x3] =	stream.indirect_vreg.gather [hbm4b:s5+s3], $0x80, v4, vm0, $0xb8;
	[tilespmem:$0x1E100] =	vst v63  }
0x17f: {  	s31 =	simm.s32 $0xD100  }
0x180: {  	[tilespmem:s31], [sflag:$0x3] =	stream.indirect_vreg.gather [hbm4b:s6+s3], $0x80, v4, vm0, $0xb8;
	[tilespmem:$0x1E100] =	vst v63  }
0x181: {  	s8 =	simm.s32 $0xD900  }
0x182: {  	[tilespmem:s8], [sflag:$0x3] =	stream.indirect_vreg.gather [hbm4b:s1+s3], $0x80, v3, vm0, $0xb8;
	[tilespmem:$0x1E100] =	vst v63  }
0x183: {  	s26 =	simm.s32 $0xE100  }
0x184: {  	[tilespmem:s26], [sflag:$0x3] =	stream.indirect_vreg.gather [hbm4b:s5+s3], $0x80, v3, vm0, $0xb8;
	[tilespmem:$0x1E100] =	vst v63  }
0x185: {  	s30 =	simm.s32 $0xE900  }
0x186: {  	[tilespmem:s30], [sflag:$0x3] =	stream.indirect_vreg.gather [hbm4b:s6+s3], $0x80, v3, vm0, $0xb8;
	[tilespmem:$0x1E100] =	vst v63  }
0x187: {  	_ =	swait.ge [sflag:s24], $0x3000  }
0x188: {  	[sflag:s24] =	ssyncset.done $0x0  }
0x189: {  	s31 =	rddreg [dreg:$0xf];
	[sflag:s24] =	ssyncadd.s32 $0xFFFFD000  }
0x18a: {  	[hbm4b:s31+s3] =	stream.linear.scatter [tilespmem:s15], [sflag:$0x6], $0x3000, $0x38;
	[tilespmem:$0x1E100] =	vst v63  }
0x18b: {  	_ =	swait.ge [sflag:s18], $0x3000  }
0x18c: {  	[sflag:s18] =	ssyncset.done $0x0  }
0x18d: {  	[sflag:s18] =	ssyncadd.s32 $0xFFFFD000  }
0x18e: {  	v3 =	vld [tilespmem:$0xE0];
	_ =	sdelay $0x4  }
0x18f: {  	v61 =	vshrl.u32 v3, $0x3  }
0x190: {  	v4 =	vmul.u32 $0x30, v61  }
0x191: {  	v3 =	vand.u32 $0x7, v3  }
0x192: {  	v3 =	vor.u32 v3, v4  }
0x193: {  	v4 =	vperm.xlane v3, v0;
	_ =	sdelay $0x1  }
0x194: {  	v4 =	vadd.s32 v1, v4;
	_ =	sdelay $0x3  }
0x195: {  	v3 =	vperm.xlane v3, v2  }
0x196: {  	[tilespmem:s9], [sflag:$0x4] =	stream.indirect_vreg.gather [hbm4b:s1+s3], $0x80, v4, vm0, $0xb8;
	[tilespmem:$0x1E100] =	vst v63  }
0x197: {  	s8 =	simm.s32 $0xF900;
	v3 =	vadd.s32 v1, v3  }
0x198: {  	[tilespmem:s8], [sflag:$0x4] =	stream.indirect_vreg.gather [hbm4b:s5+s3], $0x80, v4, vm0, $0xb8;
	[tilespmem:$0x1E100] =	vst v63  }
0x199: {  	s26 =	simm.s32 $0x10100  }
0x19a: {  	[tilespmem:s26], [sflag:$0x4] =	stream.indirect_vreg.gather [hbm4b:s6+s3], $0x80, v4, vm0, $0xb8;
	[tilespmem:$0x1E100] =	vst v63  }
0x19b: {  	s30 =	simm.s32 $0x10900  }
0x19c: {  	[tilespmem:s30], [sflag:$0x4] =	stream.indirect_vreg.gather [hbm4b:s1+s3], $0x80, v3, vm0, $0xb8;
	[tilespmem:$0x1E100] =	vst v63  }
0x19d: {  	s31 =	simm.s32 $0x11100  }
0x19e: {  	[tilespmem:s31], [sflag:$0x4] =	stream.indirect_vreg.gather [hbm4b:s5+s3], $0x80, v3, vm0, $0xb8;
	[tilespmem:$0x1E100] =	vst v63  }
0x19f: {  	s8 =	simm.s32 $0x11900  }
0x1a0: {  	[tilespmem:s8], [sflag:$0x4] =	stream.indirect_vreg.gather [hbm4b:s6+s3], $0x80, v3, vm0, $0xb8;
	[tilespmem:$0x1E100] =	vst v63  }
0x1a1: {  	_ =	swait.ge [sflag:s28], $0x3000  }
0x1a2: {  	[sflag:s28] =	ssyncset.done $0x0  }
0x1a3: {  	s26 =	rddreg [dreg:$0x10];
	[sflag:s28] =	ssyncadd.s32 $0xFFFFD000  }
0x1a4: {  	[hbm4b:s26+s3] =	stream.linear.scatter [tilespmem:s21], [sflag:$0x7], $0x3000, $0x38;
	[tilespmem:$0x1E100] =	vst v63  }
0x1a5: {  	_ =	swait.ge [sflag:s19], $0x3000  }
0x1a6: {  	[sflag:s19] =	ssyncset.done $0x0  }
0x1a7: {  	[sflag:s19] =	ssyncadd.s32 $0xFFFFD000  }
0x1a8: {  	v3 =	vld.msk [tilespmem:$0xF0], $0xff;
	_ =	sdelay $0x4  }
0x1a9: {  	v62 =	vshrl.u32 v3, $0x3  }
0x1aa: {  	v4 =	vmul.u32 $0x30, v62  }
0x1ab: {  	v3 =	vand.u32 $0x7, v3  }
0x1ac: {  	v3 =	vor.u32 v3, v4  }
0x1ad: {  	v3 =	vperm.xlane v3, v0;
	_ =	sdelay $0x1  }
0x1ae: {  	v3 =	vadd.s32 v1, v3;
	_ =	sdelay $0x4  }
0x1af: {  	[tilespmem:s13], [sflag:$0x1] =	stream.indirect_vreg.gather [hbm4b:s1+s3], $0x80, v3, vm0, $0xb8;
	[tilespmem:$0x1E100] =	vst v63  }
0x1b0: {  	s30 =	simm.s32 $0x12900  }
0x1b1: {  	[tilespmem:s30], [sflag:$0x1] =	stream.indirect_vreg.gather [hbm4b:s5+s3], $0x80, v3, vm0, $0xb8;
	[tilespmem:$0x1E100] =	vst v63  }
0x1b2: {  	s31 =	simm.s32 $0x13100  }
0x1b3: {  	[tilespmem:s31], [sflag:$0x1] =	stream.indirect_vreg.gather [hbm4b:s6+s3], $0x80, v3, vm0, $0xb8;
	[tilespmem:$0x1E100] =	vst v63  }
0x1b4: {  	_ =	swait.ge [sflag:s11], $0x3000  }
0x1b5: {  	[sflag:s11] =	ssyncset.done $0x0  }
0x1b6: {  	s8 =	rddreg [dreg:$0x11];
	[sflag:s11] =	ssyncadd.s32 $0xFFFFD000  }
0x1b7: {  	[hbm4b:s8+s3] =	stream.linear.scatter [tilespmem:s0], [sflag:$0x8], $0x3000, $0x38;
	[tilespmem:$0x1E100] =	vst v63  }
0x1b8: {  	_ =	swait.ge [sflag:s22], $0x3000  }
0x1b9: {  	[sflag:s22] =	ssyncset.done $0x0  }
0x1ba: {  	[sflag:s22] =	ssyncadd.s32 $0xFFFFD000  }
0x1bb: {  	v3 =	vld.msk [tilespmem:$0xF8], $0xff;
	_ =	sdelay $0x4  }
0x1bc: {  	v63 =	vshrl.u32 v3, $0x3  }
0x1bd: {  	v4 =	vmul.u32 $0x30, v63  }
0x1be: {  	v3 =	vand.u32 $0x7, v3  }
0x1bf: {  	v3 =	vor.u32 v3, v4  }
0x1c0: {  	v3 =	vperm.xlane v3, v0;
	_ =	sdelay $0x1  }
0x1c1: {  	v3 =	vadd.s32 v1, v3;
	_ =	sdelay $0x4  }
0x1c2: {  	[tilespmem:s25], [sflag:$0x2] =	stream.indirect_vreg.gather [hbm4b:s1+s3], $0x80, v3, vm0, $0xb8;
	[tilespmem:$0x1E100] =	vst v63  }
0x1c3: {  	s26 =	simm.s32 $0x15900  }
0x1c4: {  	[tilespmem:s26], [sflag:$0x2] =	stream.indirect_vreg.gather [hbm4b:s5+s3], $0x80, v3, vm0, $0xb8;
	[tilespmem:$0x1E100] =	vst v63  }
0x1c5: {  	s30 =	simm.s32 $0x16100  }
0x1c6: {  	[tilespmem:s30], [sflag:$0x2] =	stream.indirect_vreg.gather [hbm4b:s6+s3], $0x80, v3, vm0, $0xb8;
	[tilespmem:$0x1E100] =	vst v63  }
0x1c7: {  	_ =	swait.ge [sflag:s20], $0x3000  }
0x1c8: {  	[sflag:s20] =	ssyncset.done $0x0  }
0x1c9: {  	s31 =	rddreg [dreg:$0x12];
	[sflag:s20] =	ssyncadd.s32 $0xFFFFD000  }
0x1ca: {  	[hbm4b:s31+s3] =	stream.linear.scatter [tilespmem:s4], [sflag:$0x9], $0x3000, $0x38;
	[tilespmem:$0x1E100] =	vst v63  }
0x1cb: {  	_ =	swait.ge [sflag:s24], $0x3000  }
0x1cc: {  	[sflag:s24] =	ssyncset.done $0x0  }
0x1cd: {  	s0 =	rddreg [dreg:$0x13];
	[sflag:s24] =	ssyncadd.s32 $0xFFFFD000  }
0x1ce: {  	[hbm4b:s0+s3] =	stream.linear.scatter [tilespmem:s9], [sflag:$0xA], $0x3000, $0x38;
	[tilespmem:$0x1E100] =	vst v63  }
0x1cf: {  	_ =	swait.ge [sflag:s28], $0x1800  }
0x1d0: {  	[sflag:s28] =	ssyncset.done $0x0  }
0x1d1: {  	s8 =	rddreg [dreg:$0x14];
	[sflag:s28] =	ssyncadd.s32 $0xFFFFE800  }
0x1d2: {  	[hbm4b:s8+s3] =	stream.linear.scatter [tilespmem:s13], [sflag:$0xB], $0x1800, $0x38;
	[tilespmem:$0x1E100] =	vst v63  }
0x1d3: {  	_ =	swait.ge [sflag:s11], $0x1800  }
0x1d4: {  	[sflag:s11] =	ssyncset.done $0x0  }
0x1d5: {  	s30 =	simm.s32 $0xD;
	s26 =	rddreg [dreg:$0x15];
	[sflag:s11] =	ssyncadd.s32 $0xFFFFE800  }
0x1d6: {  	[hbm4b:s26+s3] =	stream.linear.scatter [tilespmem:s25], [sflag:$0xC], $0x1800, $0x38;
	[tilespmem:$0x1E100] =	vst v63  }
0x1d7: {  	_ =	swait.ge [sflag:s30], $0x3000  }
0x1d8: {  	[sflag:s30] =	ssyncset.done $0x0  }
0x1d9: {  	s31 =	simm.s32 $0xE;
	[sflag:s30] =	ssyncadd.s32 $0xFFFFD000  }
0x1da: {  	_ =	swait.ge [sflag:s31], $0x3000  }
0x1db: {  	[sflag:s31] =	ssyncset.done $0x0  }
0x1dc: {  	[sflag:s31] =	ssyncadd.s32 $0xFFFFD000  }
0x1dd: {  	_ =	swait.ge [sflag:s23], $0x3000  }
0x1de: {  	[sflag:s23] =	ssyncset.done $0x0  }
0x1df: {  	[sflag:s23] =	ssyncadd.s32 $0xFFFFD000  }
0x1e0: {  	_ =	swait.ge [sflag:s10], $0x3000  }
0x1e1: {  	[sflag:s10] =	ssyncset.done $0x0  }
0x1e2: {  	[sflag:s10] =	ssyncadd.s32 $0xFFFFD000  }
0x1e3: {  	_ =	swait.ge [sflag:s14], $0x3000  }
0x1e4: {  	[sflag:s14] =	ssyncset.done $0x0  }
0x1e5: {  	[sflag:s14] =	ssyncadd.s32 $0xFFFFD000  }
0x1e6: {  	_ =	swait.ge [sflag:s16], $0x3000  }
0x1e7: {  	[sflag:s16] =	ssyncset.done $0x0  }
0x1e8: {  	[sflag:s16] =	ssyncadd.s32 $0xFFFFD000  }
0x1e9: {  	_ =	swait.ge [sflag:s17], $0x3000  }
0x1ea: {  	[sflag:s17] =	ssyncset.done $0x0  }
0x1eb: {  	[sflag:s17] =	ssyncadd.s32 $0xFFFFD000  }
0x1ec: {  	_ =	swait.ge [sflag:s18], $0x3000  }
0x1ed: {  	[sflag:s18] =	ssyncset.done $0x0  }
0x1ee: {  	[sflag:s18] =	ssyncadd.s32 $0xFFFFD000  }
0x1ef: {  	p0 =	sne.s32 s7, $0x1;
	_ =	swait.ge [sflag:s19], $0x1800  }
.Ltmp0:
0x1f0: {  	[sflag:s19] =	ssyncset.done $0x0;
	(pc) =	sbr.rel @p0 .LBB2_1-.Ltmp0, $4  }
0x1f1: {  	[sflag:s19] =	ssyncadd.s32 $0xFFFFE800  }
0x1f2: {  	_ =	swait.ge [sflag:s22], $0x1800  }
0x1f3: {  	[sflag:s22] =	ssyncset.done $0x0  }
0x1f4: {  	s7 =	sadd.s32 $0xFFFFFFFF, s7;
	[sflag:s22] =	ssyncadd.s32 $0xFFFFE800  }
0x1f5: {  	_ =	sfence.sel $0x180000  }
0x1f6: {  	[bflag:$0x0] =	sbarrier.arrive $0xFFFF  }
0x1f7: {  	_ =	strace $0x90000047  }
0x1f8: {  	s0 =	stileid.u32;
	[bflag:$0x2] =	sbarrier.arrive $0xFFFF  }
0x1f9: {  	p0 =	sne.s32 s0, $0x0;
	s0 =	rddreg [dreg:$0x3]  }
0x1fa: {  	s0 =	sadd.s32 @!p0 $0x100000, s0  }
0x1fb: {  	[sflag:s0] =	ssyncadd.tile.s32 @!p0 $0x1;
	_ =	shalt  }
.Lfunc_end2:
_tile_overlayer_lowered:
.L_overlay_start_2:
0x1fc: {  	(tag) =	ssettag $0x2  }
0x1fd: {  	s0 =	rddreg [dreg:$0x0];
	s2 =	stileid.u32  }
0x1fe: {  	s1 =	rddreg [dreg:$0x1];
	p0 =	sne.s32 s2, $0x0  }
0x1ff: {  	s3 =	rddreg [dreg:$0x2];
	[bflag:$0x3] =	sbarrier.arrive $0xFFFF;
	s2 =	simm.s32 @!p0 $0x1C0F  }
0x200: {  	[timem:s3], [sflag:s2] =	dma.local @!p0 [hbm:s0], s1  }
0x201: {  	s0 =	simm.s32 @!p0 $0xF  }
0x202: {  	_ =	swait.ge @!p0 [sflag:s0], s1  }
0x203: {  	s1 =	ssub.s32 @!p0 $0x0, s1;
	[sflag:s0] =	ssyncset.done @!p0 $0x0  }
0x204: {  	[sflag:s0] =	ssyncadd.s32 @!p0 s1  }
0x205: {  	[bflag:$0x3] =	sbarrier.arrive $0xFFFF  }
0x206: {  	_ =	shalt  }

</sc_bundles>
